<compile_context>
chip_gen: v7x
topology: tpu7x:2x2x1
jax: 0.10.2.dev20260603
libtpu: 0.0.44.dev20260713+nightly
codegen_flags: <defaults>
</compile_context>

<pallas_src>
import functools

import jax
import jax.numpy as jnp
from jax import lax
from jax.experimental import pallas as pl
from jax.experimental.pallas import tpu as pltpu
from jax.experimental.pallas import tpu_sc as plsc

GAMMA = 0.9
B = 16384
DATA_LEN = 1000000
NW1 = 16
RANGE = 62528
WSIZE = NW1 * RANGE
BPW = B // NW1
VPB = B // 16
LPW = BPW // 16
NCH = BPW // 128

_mesh = plsc.VectorSubcoreMesh(core_axis_name="c", subcore_axis_name="s")


@functools.partial(
    pl.kernel,
    out_type=(
        jax.ShapeDtypeStruct((WSIZE,), jnp.int32),
        jax.ShapeDtypeStruct((NW1 * 16,), jnp.float32),
        jax.ShapeDtypeStruct((16,), jnp.float32),
    ),
    mesh=_mesh,
    compiler_params=pltpu.CompilerParams(needs_layout_passes=False),
    scratch_types=[
        pltpu.VMEM((B,), jnp.int32),
        pltpu.VMEM((RANGE,), jnp.int32),
        pltpu.VMEM((BPW,), jnp.int32),
        pltpu.VMEM((BPW,), jnp.float32),
        pltpu.VMEM((BPW,), jnp.float32),
        pltpu.VMEM((BPW,), jnp.float32),
        pltpu.VMEM((BPW,), jnp.float32),
        pltpu.VMEM((BPW,), jnp.float32),
        pltpu.VMEM((BPW,), jnp.float32),
        pltpu.VMEM((BPW,), jnp.int32),
        pltpu.VMEM((48,), jnp.float32),
        pltpu.VMEM((NW1 * 16,), jnp.float32),
        pltpu.VMEM((16,), jnp.float32),
        pltpu.SemaphoreType.DMA,
        pltpu.SemaphoreType.DMA,
        pltpu.SemaphoreType.DMA,
        pltpu.SemaphoreType.DMA,
    ],
)
def _fused_kernel(idx_hbm, sn_hbm, sd_hbm, y_hbm, snb_hbm, sdb_hbm, ab_hbm,
                  w_hbm, psum_hbm, out_hbm,
                  idxv, wtab, wv, gsn, gsd, snw, sdw, snv, sdv, yv,
                  abv, sumv, outv, semA, semB, semC, semD):
    @pl.when(lax.axis_index("c") == 0)
    def _():
        wid = lax.axis_index("s")
        lo = wid * RANGE
        pltpu.sync_copy(idx_hbm, idxv)
        lane = lax.iota(jnp.int32, 16)

        def scan_body(r, cnt):
            iv = idxv[pl.ds(r * 16, 16)]
            pos = r * 16 + lane
            m = (iv >= lo) & (iv < lo + RANGE)
            lidx = jnp.where(m, iv - lo, 0)
            plsc.store_scatter(wtab, [lidx], pos, mask=m)
            rv = plsc.load_gather(wtab, [lidx], mask=m)
            m2 = m & (rv < pos)
            plsc.store_scatter(wtab, [lidx], pos, mask=m2)
            return cnt + m2.astype(jnp.int32)

        cntv = lax.fori_loop(0, VPB, scan_body, jnp.zeros((16,), jnp.int32))

        def fix_body(r, cnt):
            iv = idxv[pl.ds(r * 16, 16)]
            pos = r * 16 + lane
            m = (iv >= lo) & (iv < lo + RANGE)
            lidx = jnp.where(m, iv - lo, 0)
            rv = plsc.load_gather(wtab, [lidx], mask=m)
            m2 = m & (rv < pos)
            plsc.store_scatter(wtab, [lidx], pos, mask=m2)
            return cnt + m2.astype(jnp.int32)

        def fix_pass(cntv):
            return lax.fori_loop(0, VPB, fix_body, jnp.zeros((16,), jnp.int32))

        lax.while_loop(lambda c: jnp.sum(c) > 0, fix_pass, cntv)
        pltpu.sync_copy(wtab, w_hbm.at[pl.ds(lo, RANGE)])

        plsc.subcore_barrier()

        base = wid * BPW
        snb = snb_hbm.at[0]
        sdb = sdb_hbm.at[0]
        cps = []
        for j in range(NCH):
            s = pl.ds(base + j * 128, 128)
            d = pl.ds(j * 128, 128)
            cps.append(pltpu.async_copy(w_hbm.at[idxv.at[s]], wv.at[d], semA))
            cps.append(pltpu.async_copy(snb.at[idxv.at[s]], gsn.at[d], semB))
            cps.append(pltpu.async_copy(sdb.at[idxv.at[s]], gsd.at[d], semB))
        cps.append(pltpu.async_copy(sn_hbm.at[pl.ds(base, BPW)], snv, semC))
        cps.append(pltpu.async_copy(sd_hbm.at[pl.ds(base, BPW)], sdv, semC))
        cps.append(pltpu.async_copy(y_hbm.at[pl.ds(base, BPW)], yv, semC))
        cps.append(pltpu.async_copy(ab_hbm, abv, semC))
        for j in range(NCH):
            cps[3 * j].wait()
        cps2 = []
        for j in range(NCH):
            d = pl.ds(j * 128, 128)
            cps2.append(pltpu.async_copy(sn_hbm.at[wv.at[d]], snw.at[d], semD))
            cps2.append(pltpu.async_copy(sd_hbm.at[wv.at[d]], sdw.at[d], semD))
        for j in range(NCH):
            cps[3 * j + 1].wait()
            cps[3 * j + 2].wait()
        for cp in cps[3 * NCH:]:
            cp.wait()
        for cp in cps2:
            cp.wait()

        av = abv[pl.ds(0, 16)]
        bv = abv[pl.ds(16, 16)]
        zero = jnp.zeros((16,), jnp.float32)

        def body(r, accs):
            a0, a1, a2, a3, a4, a5, a6, a7 = accs
            s = pl.ds(r * 16, 16)
            g_sn = gsn[s]
            g_sd = gsd[s]
            s_w = snw[s]
            d_w = sdw[s]
            s_p = snv[s]
            d_p = sdv[s]
            y = yv[s]
            vsn = (1.0 - GAMMA) * g_sn + GAMMA * s_w
            vsd = jnp.maximum((1.0 - GAMMA) * g_sd + GAMMA * d_w, 1e-08)
            rcp = 1.0 / vsd
            z = vsn * rcp
            snd = 1.0 / (1.0 + jnp.exp(-z))
            gsnd = snd * (1.0 - snd)
            gw = gsnd * (rcp * s_p - (vsn * rcp * rcp) * d_p)
            mp = (y == 1).astype(jnp.float32)
            mn = (y == 0).astype(jnp.float32)
            ta = snd - av
            tb = snd - bv
            return (a0 + mp, a1 + mn,
                    a2 + mp * (2.0 * ta * gw), a3 + mn * (2.0 * tb * gw),
                    a4 + mn * gw, a5 + mp * gw,
                    a6 + mp * ta * ta, a7 + mn * tb * tb)

        accs = lax.fori_loop(0, LPW, body, (zero,) * 8)
        ov = jnp.zeros((16,), jnp.float32)
        for k in range(8):
            ov = ov + jnp.where(lane == k, jnp.sum(accs[k]), 0.0)
        outv[...] = ov
        pltpu.sync_copy(outv, psum_hbm.at[pl.ds(wid * 16, 16)])

        plsc.subcore_barrier()

        @pl.when(wid == 0)
        def _():
            pltpu.sync_copy(psum_hbm, sumv)

            def red(r, t):
                return t + sumv[pl.ds(r * 16, 16)]

            t = lax.fori_loop(0, NW1, red, jnp.zeros((16,), jnp.float32))

            def lane_sum(vec, k):
                return jnp.sum(jnp.where(lane == k, vec, 0.0))

            s0 = lane_sum(t, 0)
            s1 = lane_sum(t, 1)
            s2 = lane_sum(t, 2)
            s3 = lane_sum(t, 3)
            s4 = lane_sum(t, 4)
            s5 = lane_sum(t, 5)
            s6 = lane_sum(t, 6)
            s7 = lane_sum(t, 7)
            alpha = lane_sum(abv[pl.ds(32, 16)], 0)
            num = jnp.where(lane == 0, s2,
                  jnp.where(lane == 1, s3,
                  jnp.where(lane == 2, alpha * s4,
                  jnp.where(lane == 3, -alpha * s5,
                  jnp.where(lane == 4, s6,
                  jnp.where(lane == 5, s7, 0.0))))))
            den = jnp.where((lane == 0) | (lane == 3) | (lane == 4), s0,
                  jnp.where((lane == 1) | (lane == 2) | (lane == 5), s1, 1.0))
            loss = jnp.sum(num / den)
            outv[...] = jnp.where(lane == 0, loss, 0.0)
            pltpu.sync_copy(outv, out_hbm)


def kernel(sn, sd, y_true, index, sn_buf, sd_buf, a, b, alpha):
    idx = index.reshape(-1).astype(jnp.int32)
    sn_f = sn.reshape(-1)
    sd_f = sd.reshape(-1)
    y = y_true.reshape(-1)
    ab = jnp.concatenate([
        jnp.broadcast_to(a, (16,)),
        jnp.broadcast_to(b, (16,)),
        jnp.broadcast_to(alpha, (16,)),
    ])
    _, _, out = _fused_kernel(idx, sn_f, sd_f, y,
                              sn_buf.reshape(1, -1), sd_buf.reshape(1, -1), ab)
    return out[0]

# --- scband reference (transcript-rebuilt; emitter-appended) ---
"""Pipeline reference for scband-midamloss-549755813907 (READ-ONLY COPY).

The authoritative reference and input builder live on the scoring server;
editing this copy changes nothing except your own understanding.
"""

import jax, jax.numpy as jnp
import numpy as np

DATA_LEN = 1000000
BATCH = 16384
GAMMA = 0.9


def setup_inputs(seed: int = 0) -> dict:
    key = jax.random.key(seed)
    k1, k2, k3, k4 = jax.random.split(key, 4)
    sn = jax.random.normal(k1, (BATCH, 1), dtype=jnp.float32)
    sd = jax.random.uniform(k2, (BATCH, 1), dtype=jnp.float32)
    y_true = jax.random.randint(k3, (BATCH,), 0, 2).astype(jnp.int32)
    index = jax.random.randint(k4, (BATCH,), 0, DATA_LEN).astype(jnp.int32)
    # persistent state of the loss module (buffers + learnable scalars)
    sn_buf = jnp.ones((DATA_LEN, 1), dtype=jnp.float32)
    sd_buf = jnp.ones((DATA_LEN, 1), dtype=jnp.float32)
    a = jnp.zeros((1,), dtype=jnp.float32)
    b = jnp.zeros((1,), dtype=jnp.float32)
    alpha = jnp.zeros((1,), dtype=jnp.float32)
    return {"sn": sn, "sd": sd, "y_true": y_true, "index": index,
            "sn_buf": sn_buf, "sd_buf": sd_buf, "a": a, "b": b, "alpha": alpha}


def reference(sn, sd, y_true, index, sn_buf, sd_buf, a, b, alpha):
    sn = sn.reshape(-1, 1)
    sd = sd.reshape(-1, 1)
    y_true = y_true.reshape(-1, 1)
    index = index.reshape(-1)
    # moving-average scatter update of the per-sample buffers (detached)
    sn_new = (1.0 - GAMMA) * sn_buf[index] + GAMMA * jax.lax.stop_gradient(sn)
    sd_new = (1.0 - GAMMA) * sd_buf[index] + GAMMA * jax.lax.stop_gradient(sd)
    sn_buf = sn_buf.at[index].set(sn_new)
    sd_buf = sd_buf.at[index].set(sd_new)
    vsn = sn_buf[index]
    vsd = jnp.clip(sd_buf[index], 1e-08)
    snd = jax.nn.sigmoid(vsn / vsd)
    gsnd = snd * (1.0 - snd)
    mask_p = (y_true == 1).astype(jnp.float32)
    mask_n = (y_true == 0).astype(jnp.float32)
    n_p = jnp.sum(mask_p)
    n_n = jnp.sum(mask_n)
    gw_att = gsnd * ((1.0 / vsd) * sn - (vsn / (vsd ** 2)) * sd)
    a_d = jax.lax.stop_gradient(a)
    b_d = jax.lax.stop_gradient(b)
    alpha_d = jax.lax.stop_gradient(alpha)[0]
    gw_p = jnp.sum(mask_p * 2.0 * (snd - a_d) * gw_att) / n_p
    gw_n = jnp.sum(mask_n * 2.0 * (snd - b_d) * gw_att) / n_n
    gw_s = alpha_d * (jnp.sum(mask_n * gw_att) / n_n - jnp.sum(mask_p * gw_att) / n_p)
    ga = jnp.sum(mask_p * (snd - a) ** 2) / n_p
    gb = jnp.sum(mask_n * (snd - b) ** 2) / n_n
    loss = gw_p + gw_n + gw_s + ga + gb
    return loss

if __name__ == "__main__":
    import jax
    _d = setup_inputs()
    print(jax.jit(kernel)(*tuple(_d.values())))

</pallas_src>

<mosaic_0001>
#map = affine_map<(d0, d1) -> (0)>
#map1 = affine_map<(d0, d1) -> (0, 0)>
module attributes {stable_mosaic.version = 14 : i64} {
  func.func @_fused_kernel(%arg0: i32, %arg1: i32, %arg2: memref<16384xi32, #tpu.memory_space<hbm>>, %arg3: memref<16384xf32, #tpu.memory_space<hbm>>, %arg4: memref<16384xf32, #tpu.memory_space<hbm>>, %arg5: memref<16384xi32, #tpu.memory_space<hbm>>, %arg6: memref<1x1000000xf32, #tpu.memory_space<hbm>>, %arg7: memref<1x1000000xf32, #tpu.memory_space<hbm>>, %arg8: memref<48xf32, #tpu.memory_space<hbm>>, %arg9: memref<1000448xi32, #tpu.memory_space<hbm>>, %arg10: memref<256xf32, #tpu.memory_space<hbm>>, %arg11: memref<16xf32, #tpu.memory_space<hbm>>, %arg12: memref<16384xi32, #tpu.memory_space<vmem>>, %arg13: memref<62528xi32, #tpu.memory_space<vmem>>, %arg14: memref<1024xi32, #tpu.memory_space<vmem>>, %arg15: memref<1024xf32, #tpu.memory_space<vmem>>, %arg16: memref<1024xf32, #tpu.memory_space<vmem>>, %arg17: memref<1024xf32, #tpu.memory_space<vmem>>, %arg18: memref<1024xf32, #tpu.memory_space<vmem>>, %arg19: memref<1024xf32, #tpu.memory_space<vmem>>, %arg20: memref<1024xf32, #tpu.memory_space<vmem>>, %arg21: memref<1024xi32, #tpu.memory_space<vmem>>, %arg22: memref<48xf32, #tpu.memory_space<vmem>>, %arg23: memref<256xf32, #tpu.memory_space<vmem>>, %arg24: memref<16xf32, #tpu.memory_space<vmem>>, %arg25: memref<!tpu.dma_semaphore, #tpu.memory_space<semaphore_mem>>, %arg26: memref<!tpu.dma_semaphore, #tpu.memory_space<semaphore_mem>>, %arg27: memref<!tpu.dma_semaphore, #tpu.memory_space<semaphore_mem>>, %arg28: memref<!tpu.dma_semaphore, #tpu.memory_space<semaphore_mem>>) attributes {dimension_semantics = [#tpu.dimension_semantics<core_parallel>, #tpu.dimension_semantics<subcore_parallel>], iteration_bounds = array<i64: 2, 16>, scalar_prefetch = 0 : i64, scratch_operands = 17 : i64, tpu.core_type = #tpu.core_type<sc_vector_subcore>, window_params = [{transform_indices = #map}, {transform_indices = #map}, {transform_indices = #map}, {transform_indices = #map}, {transform_indices = #map1}, {transform_indices = #map1}, {transform_indices = #map}, {transform_indices = #map}, {transform_indices = #map}, {transform_indices = #map}]} {
    %eq3A = arith.constant 0 : i32
    %eq3A_0 = arith.cmpi eq, %arg0, %eq3A : i32
    %convert_element_type3A = arith.extui %eq3A_0 : i1 to i32
    %cond3A = arith.constant 0 : i32
    %cond3A_1 = arith.cmpi ne, %convert_element_type3A, %cond3A : i32
    scf.if %cond3A_1 {
      %mul3A = arith.constant 62528 : i32
      %mul3A_2 = arith.muli %arg1, %mul3A : i32
      "tpu.region"() ({
        %run_scoped3A = tpu.sem_alloc : memref<!tpu.dma_semaphore, #tpu.memory_space<semaphore_mem>>
        tpu.enqueue_dma source(%arg2 : memref<16384xi32, #tpu.memory_space<hbm>>) target(%arg12 : memref<16384xi32, #tpu.memory_space<vmem>>) target_semaphore(%run_scoped3A : memref<!tpu.dma_semaphore, #tpu.memory_space<semaphore_mem>>)
        tpu.wait_dma2 semaphore(%run_scoped3A : memref<!tpu.dma_semaphore, #tpu.memory_space<semaphore_mem>>) src(%arg2 : memref<16384xi32, #tpu.memory_space<hbm>>) dst(%arg12 : memref<16384xi32, #tpu.memory_space<vmem>>)
        tpu.yield
      }) : () -> ()
      %iota3A = tpu.iota {dimensions = array<i32: 0>} : vector<16xi32>
      %broadcast_in_dim3A = arith.constant 0 : i32
      %broadcast_in_dim3A_3 = vector.broadcast %broadcast_in_dim3A : i32 to vector<16xi32>
      %scan3A = arith.constant 0 : i32
      %scan3A_4 = arith.constant 1024 : i32
      %scan3A_5 = arith.addi %scan3A, %scan3A_4 : i32
      %scan3A_6 = arith.constant 1 : i32
      %scan3A_7 = scf.for %scan3A_711 = %scan3A to %scan3A_5 step %scan3A_6 iter_args(%scan3A_712 = %broadcast_in_dim3A_3) -> (vector<16xi32>)  : i32 {
        %mul3A_713 = arith.constant 16 : i32
        %mul3A_714 = arith.muli %scan3A_711, %mul3A_713 : i32
        %get3A_715 = arith.index_cast %mul3A_714 : i32 to index
        %get3A_716 = tpu.vector_load %arg12[%get3A_715] {strides = array<i32>} : memref<16384xi32, #tpu.memory_space<vmem>>, vector<16xi32>,
        %mul3A_717 = arith.constant 16 : i32
        %mul3A_718 = arith.muli %scan3A_711, %mul3A_717 : i32
        %add3A_719 = vector.broadcast %mul3A_718 : i32 to vector<16xi32>
        %add3A_720 = arith.addi %add3A_719, %iota3A : vector<16xi32>
        %ge3A = vector.broadcast %mul3A_2 : i32 to vector<16xi32>
        %ge3A_721 = arith.cmpi sge, %get3A_716, %ge3A : vector<16xi32>
        %add3A_722 = arith.constant 62528 : i32
        %add3A_723 = arith.addi %mul3A_2, %add3A_722 : i32
        %lt3A = vector.broadcast %add3A_723 : i32 to vector<16xi32>
        %lt3A_724 = arith.cmpi slt, %get3A_716, %lt3A : vector<16xi32>
        %and3A = arith.andi %ge3A_721, %lt3A_724 : vector<16xi1>
        %sub3A = vector.broadcast %mul3A_2 : i32 to vector<16xi32>
        %sub3A_725 = arith.subi %get3A_716, %sub3A : vector<16xi32>
        %jit3A_726 = arith.constant 0 : i32
        %broadcast_in_dim3A_727 = vector.broadcast %jit3A_726 : i32 to vector<16xi32>
        %select_n3A_728 = arith.select %and3A, %sub3A_725, %broadcast_in_dim3A_727 : vector<16xi1>, vector<16xi32>
        tpu.vector_store_idx %arg13[%select_n3A_728], %add3A_720 masked %and3A : memref<62528xi32, #tpu.memory_space<vmem>>[vector<16xi32>], vector<16xi32>, vector<16xi1>
        %gather3A = tpu.vector_load_idx %arg13[%select_n3A_728] masked %and3A : memref<62528xi32, #tpu.memory_space<vmem>>[vector<16xi32>], vector<16xi32>, vector<16xi1>
        %lt3A_729 = arith.cmpi slt, %gather3A, %add3A_720 : vector<16xi32>
        %and3A_730 = arith.andi %and3A, %lt3A_729 : vector<16xi1>
        tpu.vector_store_idx %arg13[%select_n3A_728], %add3A_720 masked %and3A_730 : memref<62528xi32, #tpu.memory_space<vmem>>[vector<16xi32>], vector<16xi32>, vector<16xi1>
        %convert_element_type3A_731 = arith.extui %and3A_730 : vector<16xi1> to vector<16xi32>
        %add3A_732 = arith.addi %scan3A_712, %convert_element_type3A_731 : vector<16xi32>
        scf.yield %add3A_732 : vector<16xi32>
      }
      %scan3A_8 = arith.constant 1024 : i32
      %while3A = scf.while (%while3A_711 = %scan3A_7) : (vector<16xi32>) -> vector<16xi32> {
        %reduce_sum3A_712 = arith.constant true
        %reduce_sum3A_713 = vector.broadcast %reduce_sum3A_712 : i1 to vector<16xi1>
        %reduce_sum3A_714 = tpu.scan <sum>, %while3A_711 masked %reduce_sum3A_713 : vector<16xi32>, vector<16xi1> -> vector<16xi32>
        %reduce_sum3A_715 = vector.extract %reduce_sum3A_714[15] : i32 from vector<16xi32>
        %gt3A = arith.constant 0 : i32
        %gt3A_716 = arith.cmpi sgt, %reduce_sum3A_715, %gt3A : i32
        scf.condition(%gt3A_716) %while3A_711 : vector<16xi32>
      } do {
      ^bb0(%while3A_711: vector<16xi32>):
        %broadcast_in_dim3A_712 = arith.constant 0 : i32
        %broadcast_in_dim3A_713 = vector.broadcast %broadcast_in_dim3A_712 : i32 to vector<16xi32>
        %scan3A_714 = arith.constant 0 : i32
        %scan3A_715 = arith.constant 1024 : i32
        %scan3A_716 = arith.addi %scan3A_714, %scan3A_715 : i32
        %scan3A_717 = arith.constant 1 : i32
        %scan3A_718 = scf.for %scan3A_720 = %scan3A_714 to %scan3A_716 step %scan3A_717 iter_args(%scan3A_721 = %broadcast_in_dim3A_713) -> (vector<16xi32>)  : i32 {
          %mul3A_722 = arith.constant 16 : i32
          %mul3A_723 = arith.muli %scan3A_720, %mul3A_722 : i32
          %get3A_724 = arith.index_cast %mul3A_723 : i32 to index
          %get3A_725 = tpu.vector_load %arg12[%get3A_724] {strides = array<i32>} : memref<16384xi32, #tpu.memory_space<vmem>>, vector<16xi32>,
          %mul3A_726 = arith.constant 16 : i32
          %mul3A_727 = arith.muli %scan3A_720, %mul3A_726 : i32
          %add3A_728 = vector.broadcast %mul3A_727 : i32 to vector<16xi32>
          %add3A_729 = arith.addi %add3A_728, %iota3A : vector<16xi32>
          %ge3A = vector.broadcast %mul3A_2 : i32 to vector<16xi32>
          %ge3A_730 = arith.cmpi sge, %get3A_725, %ge3A : vector<16xi32>
          %add3A_731 = arith.constant 62528 : i32
          %add3A_732 = arith.addi %mul3A_2, %add3A_731 : i32
          %lt3A = vector.broadcast %add3A_732 : i32 to vector<16xi32>
          %lt3A_733 = arith.cmpi slt, %get3A_725, %lt3A : vector<16xi32>
          %and3A = arith.andi %ge3A_730, %lt3A_733 : vector<16xi1>
          %sub3A = vector.broadcast %mul3A_2 : i32 to vector<16xi32>
          %sub3A_734 = arith.subi %get3A_725, %sub3A : vector<16xi32>
          %jit3A_735 = arith.constant 0 : i32
          %broadcast_in_dim3A_736 = vector.broadcast %jit3A_735 : i32 to vector<16xi32>
          %select_n3A_737 = arith.select %and3A, %sub3A_734, %broadcast_in_dim3A_736 : vector<16xi1>, vector<16xi32>
          %gather3A = tpu.vector_load_idx %arg13[%select_n3A_737] masked %and3A : memref<62528xi32, #tpu.memory_space<vmem>>[vector<16xi32>], vector<16xi32>, vector<16xi1>
          %lt3A_738 = arith.cmpi slt, %gather3A, %add3A_729 : vector<16xi32>
          %and3A_739 = arith.andi %and3A, %lt3A_738 : vector<16xi1>
          tpu.vector_store_idx %arg13[%select_n3A_737], %add3A_729 masked %and3A_739 : memref<62528xi32, #tpu.memory_space<vmem>>[vector<16xi32>], vector<16xi32>, vector<16xi1>
          %convert_element_type3A_740 = arith.extui %and3A_739 : vector<16xi1> to vector<16xi32>
          %add3A_741 = arith.addi %scan3A_721, %convert_element_type3A_740 : vector<16xi32>
          scf.yield %add3A_741 : vector<16xi32>
        }
        %scan3A_719 = arith.constant 1024 : i32
        scf.yield %scan3A_718 : vector<16xi32>
      }
      "tpu.region"() ({
        %run_scoped3A = tpu.sem_alloc : memref<!tpu.dma_semaphore, #tpu.memory_space<semaphore_mem>>
        %dma_start3A_711 = tpu.memref_slice %arg9[%mul3A_2] : memref<1000448xi32, #tpu.memory_space<hbm>> -> memref<62528xi32, #tpu.memory_space<hbm>>
        %dma_start3A_712 = tpu.memref_slice %arg9[%mul3A_2] : memref<1000448xi32, #tpu.memory_space<hbm>> -> memref<62528xi32, #tpu.memory_space<hbm>>
        tpu.enqueue_dma source(%arg13 : memref<62528xi32, #tpu.memory_space<vmem>>) target(%dma_start3A_712 : memref<62528xi32, #tpu.memory_space<hbm>>) target_semaphore(%run_scoped3A : memref<!tpu.dma_semaphore, #tpu.memory_space<semaphore_mem>>)
        %dma_wait3A_713 = tpu.memref_slice %arg9[%mul3A_2] : memref<1000448xi32, #tpu.memory_space<hbm>> -> memref<62528xi32, #tpu.memory_space<hbm>>
        %dma_wait3A_714 = tpu.memref_slice %arg9[%mul3A_2] : memref<1000448xi32, #tpu.memory_space<hbm>> -> memref<62528xi32, #tpu.memory_space<hbm>>
        tpu.wait_dma2 semaphore(%run_scoped3A : memref<!tpu.dma_semaphore, #tpu.memory_space<semaphore_mem>>) src(%arg13 : memref<62528xi32, #tpu.memory_space<vmem>>) dst(%dma_wait3A_714 : memref<62528xi32, #tpu.memory_space<hbm>>)
        tpu.yield
      }) : () -> ()
      %barrier3A = arith.constant 0 : index
      tpu.barrier barrier_id(%barrier3A)
      %mul3A_9 = arith.constant 1024 : i32
      %mul3A_10 = arith.muli %arg1, %mul3A_9 : i32
      %add3A = arith.constant 0 : i32
      %add3A_11 = arith.addi %mul3A_10, %add3A : i32
      %dma_start3A = arith.constant 0 : i32
      %dma_start3A_12 = tpu.memref_slice %arg14[%dma_start3A] : memref<1024xi32, #tpu.memory_space<vmem>> -> memref<128xi32, #tpu.memory_space<vmem>>
      %dma_start3A_13 = tpu.memref_slice %arg12[%add3A_11] : memref<16384xi32, #tpu.memory_space<vmem>> -> memref<128xi32, #tpu.memory_space<vmem>>
      %dma_start3A_14 = arith.constant 0 : i32
      %dma_start3A_15 = tpu.memref_slice %arg9[%dma_start3A_14] : memref<1000448xi32, #tpu.memory_space<hbm>> -> memref<1000448xi32, #tpu.memory_space<hbm>>
      tpu.enqueue_indirect_dma source(%dma_start3A_15 : memref<1000448xi32, #tpu.memory_space<hbm>>) target(%dma_start3A_12 : memref<128xi32, #tpu.memory_space<vmem>>) offsets(%dma_start3A_13 : memref<128xi32, #tpu.memory_space<vmem>>) semaphore(%arg25 : memref<!tpu.dma_semaphore, #tpu.memory_space<semaphore_mem>>)
      %dma_start3A_16 = arith.constant 0 : i32
      %dma_start3A_17 = arith.constant 0 : i32
      %dma_start3A_18 = tpu.memref_slice %arg15[%dma_start3A_17] : memref<1024xf32, #tpu.memory_space<vmem>> -> memref<128xf32, #tpu.memory_space<vmem>>
      %dma_start3A_19 = tpu.memref_slice %arg12[%add3A_11] : memref<16384xi32, #tpu.memory_space<vmem>> -> memref<128xi32, #tpu.memory_space<vmem>>
      %dma_start3A_20 = arith.constant 0 : i32
      %dma_start3A_21 = tpu.memref_slice %arg6[%dma_start3A_16, %dma_start3A_20] : memref<1x1000000xf32, #tpu.memory_space<hbm>> -> memref<1x1000000xf32, #tpu.memory_space<hbm>>
      %dma_start3A_22 = tpu.memref_squeeze %dma_start3A_21 : memref<1x1000000xf32, #tpu.memory_space<hbm>> -> memref<1000000xf32, #tpu.memory_space<hbm>>
      %dma_start3A_23 = arith.constant 0 : i32
      %dma_start3A_24 = tpu.memref_slice %dma_start3A_22[%dma_start3A_23] : memref<1000000xf32, #tpu.memory_space<hbm>> -> memref<1000000xf32, #tpu.memory_space<hbm>>
      tpu.enqueue_indirect_dma source(%dma_start3A_24 : memref<1000000xf32, #tpu.memory_space<hbm>>) target(%dma_start3A_18 : memref<128xf32, #tpu.memory_space<vmem>>) offsets(%dma_start3A_19 : memref<128xi32, #tpu.memory_space<vmem>>) semaphore(%arg26 : memref<!tpu.dma_semaphore, #tpu.memory_space<semaphore_mem>>)
      %dma_start3A_25 = arith.constant 0 : i32
      %dma_start3A_26 = arith.constant 0 : i32
      %dma_start3A_27 = tpu.memref_slice %arg16[%dma_start3A_26] : memref<1024xf32, #tpu.memory_space<vmem>> -> memref<128xf32, #tpu.memory_space<vmem>>
      %dma_start3A_28 = tpu.memref_slice %arg12[%add3A_11] : memref<16384xi32, #tpu.memory_space<vmem>> -> memref<128xi32, #tpu.memory_space<vmem>>
      %dma_start3A_29 = arith.constant 0 : i32
      %dma_start3A_30 = tpu.memref_slice %arg7[%dma_start3A_25, %dma_start3A_29] : memref<1x1000000xf32, #tpu.memory_space<hbm>> -> memref<1x1000000xf32, #tpu.memory_space<hbm>>
      %dma_start3A_31 = tpu.memref_squeeze %dma_start3A_30 : memref<1x1000000xf32, #tpu.memory_space<hbm>> -> memref<1000000xf32, #tpu.memory_space<hbm>>
      %dma_start3A_32 = arith.constant 0 : i32
      %dma_start3A_33 = tpu.memref_slice %dma_start3A_31[%dma_start3A_32] : memref<1000000xf32, #tpu.memory_space<hbm>> -> memref<1000000xf32, #tpu.memory_space<hbm>>
      tpu.enqueue_indirect_dma source(%dma_start3A_33 : memref<1000000xf32, #tpu.memory_space<hbm>>) target(%dma_start3A_27 : memref<128xf32, #tpu.memory_space<vmem>>) offsets(%dma_start3A_28 : memref<128xi32, #tpu.memory_space<vmem>>) semaphore(%arg26 : memref<!tpu.dma_semaphore, #tpu.memory_space<semaphore_mem>>)
      %add3A_34 = arith.constant 128 : i32
      %add3A_35 = arith.addi %mul3A_10, %add3A_34 : i32
      %dma_start3A_36 = arith.constant 128 : i32
      %dma_start3A_37 = tpu.memref_slice %arg14[%dma_start3A_36] : memref<1024xi32, #tpu.memory_space<vmem>> -> memref<128xi32, #tpu.memory_space<vmem>>
      %dma_start3A_38 = tpu.memref_slice %arg12[%add3A_35] : memref<16384xi32, #tpu.memory_space<vmem>> -> memref<128xi32, #tpu.memory_space<vmem>>
      %dma_start3A_39 = arith.constant 0 : i32
      %dma_start3A_40 = tpu.memref_slice %arg9[%dma_start3A_39] : memref<1000448xi32, #tpu.memory_space<hbm>> -> memref<1000448xi32, #tpu.memory_space<hbm>>
      tpu.enqueue_indirect_dma source(%dma_start3A_40 : memref<1000448xi32, #tpu.memory_space<hbm>>) target(%dma_start3A_37 : memref<128xi32, #tpu.memory_space<vmem>>) offsets(%dma_start3A_38 : memref<128xi32, #tpu.memory_space<vmem>>) semaphore(%arg25 : memref<!tpu.dma_semaphore, #tpu.memory_space<semaphore_mem>>)
      %dma_start3A_41 = arith.constant 0 : i32
      %dma_start3A_42 = arith.constant 128 : i32
      %dma_start3A_43 = tpu.memref_slice %arg15[%dma_start3A_42] : memref<1024xf32, #tpu.memory_space<vmem>> -> memref<128xf32, #tpu.memory_space<vmem>>
      %dma_start3A_44 = tpu.memref_slice %arg12[%add3A_35] : memref<16384xi32, #tpu.memory_space<vmem>> -> memref<128xi32, #tpu.memory_space<vmem>>
      %dma_start3A_45 = arith.constant 0 : i32
      %dma_start3A_46 = tpu.memref_slice %arg6[%dma_start3A_41, %dma_start3A_45] : memref<1x1000000xf32, #tpu.memory_space<hbm>> -> memref<1x1000000xf32, #tpu.memory_space<hbm>>
      %dma_start3A_47 = tpu.memref_squeeze %dma_start3A_46 : memref<1x1000000xf32, #tpu.memory_space<hbm>> -> memref<1000000xf32, #tpu.memory_space<hbm>>
      %dma_start3A_48 = arith.constant 0 : i32
      %dma_start3A_49 = tpu.memref_slice %dma_start3A_47[%dma_start3A_48] : memref<1000000xf32, #tpu.memory_space<hbm>> -> memref<1000000xf32, #tpu.memory_space<hbm>>
      tpu.enqueue_indirect_dma source(%dma_start3A_49 : memref<1000000xf32, #tpu.memory_space<hbm>>) target(%dma_start3A_43 : memref<128xf32, #tpu.memory_space<vmem>>) offsets(%dma_start3A_44 : memref<128xi32, #tpu.memory_space<vmem>>) semaphore(%arg26 : memref<!tpu.dma_semaphore, #tpu.memory_space<semaphore_mem>>)
      %dma_start3A_50 = arith.constant 0 : i32
      %dma_start3A_51 = arith.constant 128 : i32
      %dma_start3A_52 = tpu.memref_slice %arg16[%dma_start3A_51] : memref<1024xf32, #tpu.memory_space<vmem>> -> memref<128xf32, #tpu.memory_space<vmem>>
      %dma_start3A_53 = tpu.memref_slice %arg12[%add3A_35] : memref<16384xi32, #tpu.memory_space<vmem>> -> memref<128xi32, #tpu.memory_space<vmem>>
      %dma_start3A_54 = arith.constant 0 : i32
      %dma_start3A_55 = tpu.memref_slice %arg7[%dma_start3A_50, %dma_start3A_54] : memref<1x1000000xf32, #tpu.memory_space<hbm>> -> memref<1x1000000xf32, #tpu.memory_space<hbm>>
      %dma_start3A_56 = tpu.memref_squeeze %dma_start3A_55 : memref<1x1000000xf32, #tpu.memory_space<hbm>> -> memref<1000000xf32, #tpu.memory_space<hbm>>
      %dma_start3A_57 = arith.constant 0 : i32
      %dma_start3A_58 = tpu.memref_slice %dma_start3A_56[%dma_start3A_57] : memref<1000000xf32, #tpu.memory_space<hbm>> -> memref<1000000xf32, #tpu.memory_space<hbm>>
      tpu.enqueue_indirect_dma source(%dma_start3A_58 : memref<1000000xf32, #tpu.memory_space<hbm>>) target(%dma_start3A_52 : memref<128xf32, #tpu.memory_space<vmem>>) offsets(%dma_start3A_53 : memref<128xi32, #tpu.memory_space<vmem>>) semaphore(%arg26 : memref<!tpu.dma_semaphore, #tpu.memory_space<semaphore_mem>>)
      %add3A_59 = arith.constant 256 : i32
      %add3A_60 = arith.addi %mul3A_10, %add3A_59 : i32
      %dma_start3A_61 = arith.constant 256 : i32
      %dma_start3A_62 = tpu.memref_slice %arg14[%dma_start3A_61] : memref<1024xi32, #tpu.memory_space<vmem>> -> memref<128xi32, #tpu.memory_space<vmem>>
      %dma_start3A_63 = tpu.memref_slice %arg12[%add3A_60] : memref<16384xi32, #tpu.memory_space<vmem>> -> memref<128xi32, #tpu.memory_space<vmem>>
      %dma_start3A_64 = arith.constant 0 : i32
      %dma_start3A_65 = tpu.memref_slice %arg9[%dma_start3A_64] : memref<1000448xi32, #tpu.memory_space<hbm>> -> memref<1000448xi32, #tpu.memory_space<hbm>>
      tpu.enqueue_indirect_dma source(%dma_start3A_65 : memref<1000448xi32, #tpu.memory_space<hbm>>) target(%dma_start3A_62 : memref<128xi32, #tpu.memory_space<vmem>>) offsets(%dma_start3A_63 : memref<128xi32, #tpu.memory_space<vmem>>) semaphore(%arg25 : memref<!tpu.dma_semaphore, #tpu.memory_space<semaphore_mem>>)
      %dma_start3A_66 = arith.constant 0 : i32
      %dma_start3A_67 = arith.constant 256 : i32
      %dma_start3A_68 = tpu.memref_slice %arg15[%dma_start3A_67] : memref<1024xf32, #tpu.memory_space<vmem>> -> memref<128xf32, #tpu.memory_space<vmem>>
      %dma_start3A_69 = tpu.memref_slice %arg12[%add3A_60] : memref<16384xi32, #tpu.memory_space<vmem>> -> memref<128xi32, #tpu.memory_space<vmem>>
      %dma_start3A_70 = arith.constant 0 : i32
      %dma_start3A_71 = tpu.memref_slice %arg6[%dma_start3A_66, %dma_start3A_70] : memref<1x1000000xf32, #tpu.memory_space<hbm>> -> memref<1x1000000xf32, #tpu.memory_space<hbm>>
      %dma_start3A_72 = tpu.memref_squeeze %dma_start3A_71 : memref<1x1000000xf32, #tpu.memory_space<hbm>> -> memref<1000000xf32, #tpu.memory_space<hbm>>
      %dma_start3A_73 = arith.constant 0 : i32
      %dma_start3A_74 = tpu.memref_slice %dma_start3A_72[%dma_start3A_73] : memref<1000000xf32, #tpu.memory_space<hbm>> -> memref<1000000xf32, #tpu.memory_space<hbm>>
      tpu.enqueue_indirect_dma source(%dma_start3A_74 : memref<1000000xf32, #tpu.memory_space<hbm>>) target(%dma_start3A_68 : memref<128xf32, #tpu.memory_space<vmem>>) offsets(%dma_start3A_69 : memref<128xi32, #tpu.memory_space<vmem>>) semaphore(%arg26 : memref<!tpu.dma_semaphore, #tpu.memory_space<semaphore_mem>>)
      %dma_start3A_75 = arith.constant 0 : i32
      %dma_start3A_76 = arith.constant 256 : i32
      %dma_start3A_77 = tpu.memref_slice %arg16[%dma_start3A_76] : memref<1024xf32, #tpu.memory_space<vmem>> -> memref<128xf32, #tpu.memory_space<vmem>>
      %dma_start3A_78 = tpu.memref_slice %arg12[%add3A_60] : memref<16384xi32, #tpu.memory_space<vmem>> -> memref<128xi32, #tpu.memory_space<vmem>>
      %dma_start3A_79 = arith.constant 0 : i32
      %dma_start3A_80 = tpu.memref_slice %arg7[%dma_start3A_75, %dma_start3A_79] : memref<1x1000000xf32, #tpu.memory_space<hbm>> -> memref<1x1000000xf32, #tpu.memory_space<hbm>>
      %dma_start3A_81 = tpu.memref_squeeze %dma_start3A_80 : memref<1x1000000xf32, #tpu.memory_space<hbm>> -> memref<1000000xf32, #tpu.memory_space<hbm>>
      %dma_start3A_82 = arith.constant 0 : i32
      %dma_start3A_83 = tpu.memref_slice %dma_start3A_81[%dma_start3A_82] : memref<1000000xf32, #tpu.memory_space<hbm>> -> memref<1000000xf32, #tpu.memory_space<hbm>>
      tpu.enqueue_indirect_dma source(%dma_start3A_83 : memref<1000000xf32, #tpu.memory_space<hbm>>) target(%dma_start3A_77 : memref<128xf32, #tpu.memory_space<vmem>>) offsets(%dma_start3A_78 : memref<128xi32, #tpu.memory_space<vmem>>) semaphore(%arg26 : memref<!tpu.dma_semaphore, #tpu.memory_space<semaphore_mem>>)
      %add3A_84 = arith.constant 384 : i32
      %add3A_85 = arith.addi %mul3A_10, %add3A_84 : i32
      %dma_start3A_86 = arith.constant 384 : i32
      %dma_start3A_87 = tpu.memref_slice %arg14[%dma_start3A_86] : memref<1024xi32, #tpu.memory_space<vmem>> -> memref<128xi32, #tpu.memory_space<vmem>>
      %dma_start3A_88 = tpu.memref_slice %arg12[%add3A_85] : memref<16384xi32, #tpu.memory_space<vmem>> -> memref<128xi32, #tpu.memory_space<vmem>>
      %dma_start3A_89 = arith.constant 0 : i32
      %dma_start3A_90 = tpu.memref_slice %arg9[%dma_start3A_89] : memref<1000448xi32, #tpu.memory_space<hbm>> -> memref<1000448xi32, #tpu.memory_space<hbm>>
      tpu.enqueue_indirect_dma source(%dma_start3A_90 : memref<1000448xi32, #tpu.memory_space<hbm>>) target(%dma_start3A_87 : memref<128xi32, #tpu.memory_space<vmem>>) offsets(%dma_start3A_88 : memref<128xi32, #tpu.memory_space<vmem>>) semaphore(%arg25 : memref<!tpu.dma_semaphore, #tpu.memory_space<semaphore_mem>>)
      %dma_start3A_91 = arith.constant 0 : i32
      %dma_start3A_92 = arith.constant 384 : i32
      %dma_start3A_93 = tpu.memref_slice %arg15[%dma_start3A_92] : memref<1024xf32, #tpu.memory_space<vmem>> -> memref<128xf32, #tpu.memory_space<vmem>>
      %dma_start3A_94 = tpu.memref_slice %arg12[%add3A_85] : memref<16384xi32, #tpu.memory_space<vmem>> -> memref<128xi32, #tpu.memory_space<vmem>>
      %dma_start3A_95 = arith.constant 0 : i32
      %dma_start3A_96 = tpu.memref_slice %arg6[%dma_start3A_91, %dma_start3A_95] : memref<1x1000000xf32, #tpu.memory_space<hbm>> -> memref<1x1000000xf32, #tpu.memory_space<hbm>>
      %dma_start3A_97 = tpu.memref_squeeze %dma_start3A_96 : memref<1x1000000xf32, #tpu.memory_space<hbm>> -> memref<1000000xf32, #tpu.memory_space<hbm>>
      %dma_start3A_98 = arith.constant 0 : i32
      %dma_start3A_99 = tpu.memref_slice %dma_start3A_97[%dma_start3A_98] : memref<1000000xf32, #tpu.memory_space<hbm>> -> memref<1000000xf32, #tpu.memory_space<hbm>>
      tpu.enqueue_indirect_dma source(%dma_start3A_99 : memref<1000000xf32, #tpu.memory_space<hbm>>) target(%dma_start3A_93 : memref<128xf32, #tpu.memory_space<vmem>>) offsets(%dma_start3A_94 : memref<128xi32, #tpu.memory_space<vmem>>) semaphore(%arg26 : memref<!tpu.dma_semaphore, #tpu.memory_space<semaphore_mem>>)
      %dma_start3A_100 = arith.constant 0 : i32
      %dma_start3A_101 = arith.constant 384 : i32
      %dma_start3A_102 = tpu.memref_slice %arg16[%dma_start3A_101] : memref<1024xf32, #tpu.memory_space<vmem>> -> memref<128xf32, #tpu.memory_space<vmem>>
      %dma_start3A_103 = tpu.memref_slice %arg12[%add3A_85] : memref<16384xi32, #tpu.memory_space<vmem>> -> memref<128xi32, #tpu.memory_space<vmem>>
      %dma_start3A_104 = arith.constant 0 : i32
      %dma_start3A_105 = tpu.memref_slice %arg7[%dma_start3A_100, %dma_start3A_104] : memref<1x1000000xf32, #tpu.memory_space<hbm>> -> memref<1x1000000xf32, #tpu.memory_space<hbm>>
      %dma_start3A_106 = tpu.memref_squeeze %dma_start3A_105 : memref<1x1000000xf32, #tpu.memory_space<hbm>> -> memref<1000000xf32, #tpu.memory_space<hbm>>
      %dma_start3A_107 = arith.constant 0 : i32
      %dma_start3A_108 = tpu.memref_slice %dma_start3A_106[%dma_start3A_107] : memref<1000000xf32, #tpu.memory_space<hbm>> -> memref<1000000xf32, #tpu.memory_space<hbm>>
      tpu.enqueue_indirect_dma source(%dma_start3A_108 : memref<1000000xf32, #tpu.memory_space<hbm>>) target(%dma_start3A_102 : memref<128xf32, #tpu.memory_space<vmem>>) offsets(%dma_start3A_103 : memref<128xi32, #tpu.memory_space<vmem>>) semaphore(%arg26 : memref<!tpu.dma_semaphore, #tpu.memory_space<semaphore_mem>>)
      %add3A_109 = arith.constant 512 : i32
      %add3A_110 = arith.addi %mul3A_10, %add3A_109 : i32
      %dma_start3A_111 = arith.constant 512 : i32
      %dma_start3A_112 = tpu.memref_slice %arg14[%dma_start3A_111] : memref<1024xi32, #tpu.memory_space<vmem>> -> memref<128xi32, #tpu.memory_space<vmem>>
      %dma_start3A_113 = tpu.memref_slice %arg12[%add3A_110] : memref<16384xi32, #tpu.memory_space<vmem>> -> memref<128xi32, #tpu.memory_space<vmem>>
      %dma_start3A_114 = arith.constant 0 : i32
      %dma_start3A_115 = tpu.memref_slice %arg9[%dma_start3A_114] : memref<1000448xi32, #tpu.memory_space<hbm>> -> memref<1000448xi32, #tpu.memory_space<hbm>>
      tpu.enqueue_indirect_dma source(%dma_start3A_115 : memref<1000448xi32, #tpu.memory_space<hbm>>) target(%dma_start3A_112 : memref<128xi32, #tpu.memory_space<vmem>>) offsets(%dma_start3A_113 : memref<128xi32, #tpu.memory_space<vmem>>) semaphore(%arg25 : memref<!tpu.dma_semaphore, #tpu.memory_space<semaphore_mem>>)
      %dma_start3A_116 = arith.constant 0 : i32
      %dma_start3A_117 = arith.constant 512 : i32
      %dma_start3A_118 = tpu.memref_slice %arg15[%dma_start3A_117] : memref<1024xf32, #tpu.memory_space<vmem>> -> memref<128xf32, #tpu.memory_space<vmem>>
      %dma_start3A_119 = tpu.memref_slice %arg12[%add3A_110] : memref<16384xi32, #tpu.memory_space<vmem>> -> memref<128xi32, #tpu.memory_space<vmem>>
      %dma_start3A_120 = arith.constant 0 : i32
      %dma_start3A_121 = tpu.memref_slice %arg6[%dma_start3A_116, %dma_start3A_120] : memref<1x1000000xf32, #tpu.memory_space<hbm>> -> memref<1x1000000xf32, #tpu.memory_space<hbm>>
      %dma_start3A_122 = tpu.memref_squeeze %dma_start3A_121 : memref<1x1000000xf32, #tpu.memory_space<hbm>> -> memref<1000000xf32, #tpu.memory_space<hbm>>
      %dma_start3A_123 = arith.constant 0 : i32
      %dma_start3A_124 = tpu.memref_slice %dma_start3A_122[%dma_start3A_123] : memref<1000000xf32, #tpu.memory_space<hbm>> -> memref<1000000xf32, #tpu.memory_space<hbm>>
      tpu.enqueue_indirect_dma source(%dma_start3A_124 : memref<1000000xf32, #tpu.memory_space<hbm>>) target(%dma_start3A_118 : memref<128xf32, #tpu.memory_space<vmem>>) offsets(%dma_start3A_119 : memref<128xi32, #tpu.memory_space<vmem>>) semaphore(%arg26 : memref<!tpu.dma_semaphore, #tpu.memory_space<semaphore_mem>>)
      %dma_start3A_125 = arith.constant 0 : i32
      %dma_start3A_126 = arith.constant 512 : i32
      %dma_start3A_127 = tpu.memref_slice %arg16[%dma_start3A_126] : memref<1024xf32, #tpu.memory_space<vmem>> -> memref<128xf32, #tpu.memory_space<vmem>>
      %dma_start3A_128 = tpu.memref_slice %arg12[%add3A_110] : memref<16384xi32, #tpu.memory_space<vmem>> -> memref<128xi32, #tpu.memory_space<vmem>>
      %dma_start3A_129 = arith.constant 0 : i32
      %dma_start3A_130 = tpu.memref_slice %arg7[%dma_start3A_125, %dma_start3A_129] : memref<1x1000000xf32, #tpu.memory_space<hbm>> -> memref<1x1000000xf32, #tpu.memory_space<hbm>>
      %dma_start3A_131 = tpu.memref_squeeze %dma_start3A_130 : memref<1x1000000xf32, #tpu.memory_space<hbm>> -> memref<1000000xf32, #tpu.memory_space<hbm>>
      %dma_start3A_132 = arith.constant 0 : i32
      %dma_start3A_133 = tpu.memref_slice %dma_start3A_131[%dma_start3A_132] : memref<1000000xf32, #tpu.memory_space<hbm>> -> memref<1000000xf32, #tpu.memory_space<hbm>>
      tpu.enqueue_indirect_dma source(%dma_start3A_133 : memref<1000000xf32, #tpu.memory_space<hbm>>) target(%dma_start3A_127 : memref<128xf32, #tpu.memory_space<vmem>>) offsets(%dma_start3A_128 : memref<128xi32, #tpu.memory_space<vmem>>) semaphore(%arg26 : memref<!tpu.dma_semaphore, #tpu.memory_space<semaphore_mem>>)
      %add3A_134 = arith.constant 640 : i32
      %add3A_135 = arith.addi %mul3A_10, %add3A_134 : i32
      %dma_start3A_136 = arith.constant 640 : i32
      %dma_start3A_137 = tpu.memref_slice %arg14[%dma_start3A_136] : memref<1024xi32, #tpu.memory_space<vmem>> -> memref<128xi32, #tpu.memory_space<vmem>>
      %dma_start3A_138 = tpu.memref_slice %arg12[%add3A_135] : memref<16384xi32, #tpu.memory_space<vmem>> -> memref<128xi32, #tpu.memory_space<vmem>>
      %dma_start3A_139 = arith.constant 0 : i32
      %dma_start3A_140 = tpu.memref_slice %arg9[%dma_start3A_139] : memref<1000448xi32, #tpu.memory_space<hbm>> -> memref<1000448xi32, #tpu.memory_space<hbm>>
      tpu.enqueue_indirect_dma source(%dma_start3A_140 : memref<1000448xi32, #tpu.memory_space<hbm>>) target(%dma_start3A_137 : memref<128xi32, #tpu.memory_space<vmem>>) offsets(%dma_start3A_138 : memref<128xi32, #tpu.memory_space<vmem>>) semaphore(%arg25 : memref<!tpu.dma_semaphore, #tpu.memory_space<semaphore_mem>>)
      %dma_start3A_141 = arith.constant 0 : i32
      %dma_start3A_142 = arith.constant 640 : i32
      %dma_start3A_143 = tpu.memref_slice %arg15[%dma_start3A_142] : memref<1024xf32, #tpu.memory_space<vmem>> -> memref<128xf32, #tpu.memory_space<vmem>>
      %dma_start3A_144 = tpu.memref_slice %arg12[%add3A_135] : memref<16384xi32, #tpu.memory_space<vmem>> -> memref<128xi32, #tpu.memory_space<vmem>>
      %dma_start3A_145 = arith.constant 0 : i32
      %dma_start3A_146 = tpu.memref_slice %arg6[%dma_start3A_141, %dma_start3A_145] : memref<1x1000000xf32, #tpu.memory_space<hbm>> -> memref<1x1000000xf32, #tpu.memory_space<hbm>>
      %dma_start3A_147 = tpu.memref_squeeze %dma_start3A_146 : memref<1x1000000xf32, #tpu.memory_space<hbm>> -> memref<1000000xf32, #tpu.memory_space<hbm>>
      %dma_start3A_148 = arith.constant 0 : i32
      %dma_start3A_149 = tpu.memref_slice %dma_start3A_147[%dma_start3A_148] : memref<1000000xf32, #tpu.memory_space<hbm>> -> memref<1000000xf32, #tpu.memory_space<hbm>>
      tpu.enqueue_indirect_dma source(%dma_start3A_149 : memref<1000000xf32, #tpu.memory_space<hbm>>) target(%dma_start3A_143 : memref<128xf32, #tpu.memory_space<vmem>>) offsets(%dma_start3A_144 : memref<128xi32, #tpu.memory_space<vmem>>) semaphore(%arg26 : memref<!tpu.dma_semaphore, #tpu.memory_space<semaphore_mem>>)
      %dma_start3A_150 = arith.constant 0 : i32
      %dma_start3A_151 = arith.constant 640 : i32
      %dma_start3A_152 = tpu.memref_slice %arg16[%dma_start3A_151] : memref<1024xf32, #tpu.memory_space<vmem>> -> memref<128xf32, #tpu.memory_space<vmem>>
      %dma_start3A_153 = tpu.memref_slice %arg12[%add3A_135] : memref<16384xi32, #tpu.memory_space<vmem>> -> memref<128xi32, #tpu.memory_space<vmem>>
      %dma_start3A_154 = arith.constant 0 : i32
      %dma_start3A_155 = tpu.memref_slice %arg7[%dma_start3A_150, %dma_start3A_154] : memref<1x1000000xf32, #tpu.memory_space<hbm>> -> memref<1x1000000xf32, #tpu.memory_space<hbm>>
      %dma_start3A_156 = tpu.memref_squeeze %dma_start3A_155 : memref<1x1000000xf32, #tpu.memory_space<hbm>> -> memref<1000000xf32, #tpu.memory_space<hbm>>
      %dma_start3A_157 = arith.constant 0 : i32
      %dma_start3A_158 = tpu.memref_slice %dma_start3A_156[%dma_start3A_157] : memref<1000000xf32, #tpu.memory_space<hbm>> -> memref<1000000xf32, #tpu.memory_space<hbm>>
      tpu.enqueue_indirect_dma source(%dma_start3A_158 : memref<1000000xf32, #tpu.memory_space<hbm>>) target(%dma_start3A_152 : memref<128xf32, #tpu.memory_space<vmem>>) offsets(%dma_start3A_153 : memref<128xi32, #tpu.memory_space<vmem>>) semaphore(%arg26 : memref<!tpu.dma_semaphore, #tpu.memory_space<semaphore_mem>>)
      %add3A_159 = arith.constant 768 : i32
      %add3A_160 = arith.addi %mul3A_10, %add3A_159 : i32
      %dma_start3A_161 = arith.constant 768 : i32
      %dma_start3A_162 = tpu.memref_slice %arg14[%dma_start3A_161] : memref<1024xi32, #tpu.memory_space<vmem>> -> memref<128xi32, #tpu.memory_space<vmem>>
      %dma_start3A_163 = tpu.memref_slice %arg12[%add3A_160] : memref<16384xi32, #tpu.memory_space<vmem>> -> memref<128xi32, #tpu.memory_space<vmem>>
      %dma_start3A_164 = arith.constant 0 : i32
      %dma_start3A_165 = tpu.memref_slice %arg9[%dma_start3A_164] : memref<1000448xi32, #tpu.memory_space<hbm>> -> memref<1000448xi32, #tpu.memory_space<hbm>>
      tpu.enqueue_indirect_dma source(%dma_start3A_165 : memref<1000448xi32, #tpu.memory_space<hbm>>) target(%dma_start3A_162 : memref<128xi32, #tpu.memory_space<vmem>>) offsets(%dma_start3A_163 : memref<128xi32, #tpu.memory_space<vmem>>) semaphore(%arg25 : memref<!tpu.dma_semaphore, #tpu.memory_space<semaphore_mem>>)
      %dma_start3A_166 = arith.constant 0 : i32
      %dma_start3A_167 = arith.constant 768 : i32
      %dma_start3A_168 = tpu.memref_slice %arg15[%dma_start3A_167] : memref<1024xf32, #tpu.memory_space<vmem>> -> memref<128xf32, #tpu.memory_space<vmem>>
      %dma_start3A_169 = tpu.memref_slice %arg12[%add3A_160] : memref<16384xi32, #tpu.memory_space<vmem>> -> memref<128xi32, #tpu.memory_space<vmem>>
      %dma_start3A_170 = arith.constant 0 : i32
      %dma_start3A_171 = tpu.memref_slice %arg6[%dma_start3A_166, %dma_start3A_170] : memref<1x1000000xf32, #tpu.memory_space<hbm>> -> memref<1x1000000xf32, #tpu.memory_space<hbm>>
      %dma_start3A_172 = tpu.memref_squeeze %dma_start3A_171 : memref<1x1000000xf32, #tpu.memory_space<hbm>> -> memref<1000000xf32, #tpu.memory_space<hbm>>
      %dma_start3A_173 = arith.constant 0 : i32
      %dma_start3A_174 = tpu.memref_slice %dma_start3A_172[%dma_start3A_173] : memref<1000000xf32, #tpu.memory_space<hbm>> -> memref<1000000xf32, #tpu.memory_space<hbm>>
      tpu.enqueue_indirect_dma source(%dma_start3A_174 : memref<1000000xf32, #tpu.memory_space<hbm>>) target(%dma_start3A_168 : memref<128xf32, #tpu.memory_space<vmem>>) offsets(%dma_start3A_169 : memref<128xi32, #tpu.memory_space<vmem>>) semaphore(%arg26 : memref<!tpu.dma_semaphore, #tpu.memory_space<semaphore_mem>>)
      %dma_start3A_175 = arith.constant 0 : i32
      %dma_start3A_176 = arith.constant 768 : i32
      %dma_start3A_177 = tpu.memref_slice %arg16[%dma_start3A_176] : memref<1024xf32, #tpu.memory_space<vmem>> -> memref<128xf32, #tpu.memory_space<vmem>>
      %dma_start3A_178 = tpu.memref_slice %arg12[%add3A_160] : memref<16384xi32, #tpu.memory_space<vmem>> -> memref<128xi32, #tpu.memory_space<vmem>>
      %dma_start3A_179 = arith.constant 0 : i32
      %dma_start3A_180 = tpu.memref_slice %arg7[%dma_start3A_175, %dma_start3A_179] : memref<1x1000000xf32, #tpu.memory_space<hbm>> -> memref<1x1000000xf32, #tpu.memory_space<hbm>>
      %dma_start3A_181 = tpu.memref_squeeze %dma_start3A_180 : memref<1x1000000xf32, #tpu.memory_space<hbm>> -> memref<1000000xf32, #tpu.memory_space<hbm>>
      %dma_start3A_182 = arith.constant 0 : i32
      %dma_start3A_183 = tpu.memref_slice %dma_start3A_181[%dma_start3A_182] : memref<1000000xf32, #tpu.memory_space<hbm>> -> memref<1000000xf32, #tpu.memory_space<hbm>>
      tpu.enqueue_indirect_dma source(%dma_start3A_183 : memref<1000000xf32, #tpu.memory_space<hbm>>) target(%dma_start3A_177 : memref<128xf32, #tpu.memory_space<vmem>>) offsets(%dma_start3A_178 : memref<128xi32, #tpu.memory_space<vmem>>) semaphore(%arg26 : memref<!tpu.dma_semaphore, #tpu.memory_space<semaphore_mem>>)
      %add3A_184 = arith.constant 896 : i32
      %add3A_185 = arith.addi %mul3A_10, %add3A_184 : i32
      %dma_start3A_186 = arith.constant 896 : i32
      %dma_start3A_187 = tpu.memref_slice %arg14[%dma_start3A_186] : memref<1024xi32, #tpu.memory_space<vmem>> -> memref<128xi32, #tpu.memory_space<vmem>>
      %dma_start3A_188 = tpu.memref_slice %arg12[%add3A_185] : memref<16384xi32, #tpu.memory_space<vmem>> -> memref<128xi32, #tpu.memory_space<vmem>>
      %dma_start3A_189 = arith.constant 0 : i32
      %dma_start3A_190 = tpu.memref_slice %arg9[%dma_start3A_189] : memref<1000448xi32, #tpu.memory_space<hbm>> -> memref<1000448xi32, #tpu.memory_space<hbm>>
      tpu.enqueue_indirect_dma source(%dma_start3A_190 : memref<1000448xi32, #tpu.memory_space<hbm>>) target(%dma_start3A_187 : memref<128xi32, #tpu.memory_space<vmem>>) offsets(%dma_start3A_188 : memref<128xi32, #tpu.memory_space<vmem>>) semaphore(%arg25 : memref<!tpu.dma_semaphore, #tpu.memory_space<semaphore_mem>>)
      %dma_start3A_191 = arith.constant 0 : i32
      %dma_start3A_192 = arith.constant 896 : i32
      %dma_start3A_193 = tpu.memref_slice %arg15[%dma_start3A_192] : memref<1024xf32, #tpu.memory_space<vmem>> -> memref<128xf32, #tpu.memory_space<vmem>>
      %dma_start3A_194 = tpu.memref_slice %arg12[%add3A_185] : memref<16384xi32, #tpu.memory_space<vmem>> -> memref<128xi32, #tpu.memory_space<vmem>>
      %dma_start3A_195 = arith.constant 0 : i32
      %dma_start3A_196 = tpu.memref_slice %arg6[%dma_start3A_191, %dma_start3A_195] : memref<1x1000000xf32, #tpu.memory_space<hbm>> -> memref<1x1000000xf32, #tpu.memory_space<hbm>>
      %dma_start3A_197 = tpu.memref_squeeze %dma_start3A_196 : memref<1x1000000xf32, #tpu.memory_space<hbm>> -> memref<1000000xf32, #tpu.memory_space<hbm>>
      %dma_start3A_198 = arith.constant 0 : i32
      %dma_start3A_199 = tpu.memref_slice %dma_start3A_197[%dma_start3A_198] : memref<1000000xf32, #tpu.memory_space<hbm>> -> memref<1000000xf32, #tpu.memory_space<hbm>>
      tpu.enqueue_indirect_dma source(%dma_start3A_199 : memref<1000000xf32, #tpu.memory_space<hbm>>) target(%dma_start3A_193 : memref<128xf32, #tpu.memory_space<vmem>>) offsets(%dma_start3A_194 : memref<128xi32, #tpu.memory_space<vmem>>) semaphore(%arg26 : memref<!tpu.dma_semaphore, #tpu.memory_space<semaphore_mem>>)
      %dma_start3A_200 = arith.constant 0 : i32
      %dma_start3A_201 = arith.constant 896 : i32
      %dma_start3A_202 = tpu.memref_slice %arg16[%dma_start3A_201] : memref<1024xf32, #tpu.memory_space<vmem>> -> memref<128xf32, #tpu.memory_space<vmem>>
      %dma_start3A_203 = tpu.memref_slice %arg12[%add3A_185] : memref<16384xi32, #tpu.memory_space<vmem>> -> memref<128xi32, #tpu.memory_space<vmem>>
      %dma_start3A_204 = arith.constant 0 : i32
      %dma_start3A_205 = tpu.memref_slice %arg7[%dma_start3A_200, %dma_start3A_204] : memref<1x1000000xf32, #tpu.memory_space<hbm>> -> memref<1x1000000xf32, #tpu.memory_space<hbm>>
      %dma_start3A_206 = tpu.memref_squeeze %dma_start3A_205 : memref<1x1000000xf32, #tpu.memory_space<hbm>> -> memref<1000000xf32, #tpu.memory_space<hbm>>
      %dma_start3A_207 = arith.constant 0 : i32
      %dma_start3A_208 = tpu.memref_slice %dma_start3A_206[%dma_start3A_207] : memref<1000000xf32, #tpu.memory_space<hbm>> -> memref<1000000xf32, #tpu.memory_space<hbm>>
      tpu.enqueue_indirect_dma source(%dma_start3A_208 : memref<1000000xf32, #tpu.memory_space<hbm>>) target(%dma_start3A_202 : memref<128xf32, #tpu.memory_space<vmem>>) offsets(%dma_start3A_203 : memref<128xi32, #tpu.memory_space<vmem>>) semaphore(%arg26 : memref<!tpu.dma_semaphore, #tpu.memory_space<semaphore_mem>>)
      %dma_start3A_209 = tpu.memref_slice %arg3[%mul3A_10] : memref<16384xf32, #tpu.memory_space<hbm>> -> memref<1024xf32, #tpu.memory_space<hbm>>
      %dma_start3A_210 = tpu.memref_slice %arg3[%mul3A_10] : memref<16384xf32, #tpu.memory_space<hbm>> -> memref<1024xf32, #tpu.memory_space<hbm>>
      tpu.enqueue_dma source(%dma_start3A_210 : memref<1024xf32, #tpu.memory_space<hbm>>) target(%arg19 : memref<1024xf32, #tpu.memory_space<vmem>>) target_semaphore(%arg27 : memref<!tpu.dma_semaphore, #tpu.memory_space<semaphore_mem>>)
      %dma_start3A_211 = tpu.memref_slice %arg4[%mul3A_10] : memref<16384xf32, #tpu.memory_space<hbm>> -> memref<1024xf32, #tpu.memory_space<hbm>>
      %dma_start3A_212 = tpu.memref_slice %arg4[%mul3A_10] : memref<16384xf32, #tpu.memory_space<hbm>> -> memref<1024xf32, #tpu.memory_space<hbm>>
      tpu.enqueue_dma source(%dma_start3A_212 : memref<1024xf32, #tpu.memory_space<hbm>>) target(%arg20 : memref<1024xf32, #tpu.memory_space<vmem>>) target_semaphore(%arg27 : memref<!tpu.dma_semaphore, #tpu.memory_space<semaphore_mem>>)
      %dma_start3A_213 = tpu.memref_slice %arg5[%mul3A_10] : memref<16384xi32, #tpu.memory_space<hbm>> -> memref<1024xi32, #tpu.memory_space<hbm>>
      %dma_start3A_214 = tpu.memref_slice %arg5[%mul3A_10] : memref<16384xi32, #tpu.memory_space<hbm>> -> memref<1024xi32, #tpu.memory_space<hbm>>
      tpu.enqueue_dma source(%dma_start3A_214 : memref<1024xi32, #tpu.memory_space<hbm>>) target(%arg21 : memref<1024xi32, #tpu.memory_space<vmem>>) target_semaphore(%arg27 : memref<!tpu.dma_semaphore, #tpu.memory_space<semaphore_mem>>)
      tpu.enqueue_dma source(%arg8 : memref<48xf32, #tpu.memory_space<hbm>>) target(%arg22 : memref<48xf32, #tpu.memory_space<vmem>>) target_semaphore(%arg27 : memref<!tpu.dma_semaphore, #tpu.memory_space<semaphore_mem>>)
      %dma_wait3A = arith.constant 0 : i32
      %dma_wait3A_215 = tpu.memref_slice %arg14[%dma_wait3A] : memref<1024xi32, #tpu.memory_space<vmem>> -> memref<128xi32, #tpu.memory_space<vmem>>
      %dma_wait3A_216 = tpu.memref_slice %arg12[%add3A_11] : memref<16384xi32, #tpu.memory_space<vmem>> -> memref<128xi32, #tpu.memory_space<vmem>>
      %dma_wait3A_217 = arith.constant 0 : i32
      %dma_wait3A_218 = tpu.memref_slice %arg9[%dma_wait3A_217] : memref<1000448xi32, #tpu.memory_space<hbm>> -> memref<1000448xi32, #tpu.memory_space<hbm>>
      tpu.wait_indirect_dma semaphore(%arg25 : memref<!tpu.dma_semaphore, #tpu.memory_space<semaphore_mem>>) src(%dma_wait3A_218 : memref<1000448xi32, #tpu.memory_space<hbm>>) dst(%dma_wait3A_215 : memref<128xi32, #tpu.memory_space<vmem>>)
      %dma_wait3A_219 = arith.constant 128 : i32
      %dma_wait3A_220 = tpu.memref_slice %arg14[%dma_wait3A_219] : memref<1024xi32, #tpu.memory_space<vmem>> -> memref<128xi32, #tpu.memory_space<vmem>>
      %dma_wait3A_221 = tpu.memref_slice %arg12[%add3A_35] : memref<16384xi32, #tpu.memory_space<vmem>> -> memref<128xi32, #tpu.memory_space<vmem>>
      %dma_wait3A_222 = arith.constant 0 : i32
      %dma_wait3A_223 = tpu.memref_slice %arg9[%dma_wait3A_222] : memref<1000448xi32, #tpu.memory_space<hbm>> -> memref<1000448xi32, #tpu.memory_space<hbm>>
      tpu.wait_indirect_dma semaphore(%arg25 : memref<!tpu.dma_semaphore, #tpu.memory_space<semaphore_mem>>) src(%dma_wait3A_223 : memref<1000448xi32, #tpu.memory_space<hbm>>) dst(%dma_wait3A_220 : memref<128xi32, #tpu.memory_space<vmem>>)
      %dma_wait3A_224 = arith.constant 256 : i32
      %dma_wait3A_225 = tpu.memref_slice %arg14[%dma_wait3A_224] : memref<1024xi32, #tpu.memory_space<vmem>> -> memref<128xi32, #tpu.memory_space<vmem>>
      %dma_wait3A_226 = tpu.memref_slice %arg12[%add3A_60] : memref<16384xi32, #tpu.memory_space<vmem>> -> memref<128xi32, #tpu.memory_space<vmem>>
      %dma_wait3A_227 = arith.constant 0 : i32
      %dma_wait3A_228 = tpu.memref_slice %arg9[%dma_wait3A_227] : memref<1000448xi32, #tpu.memory_space<hbm>> -> memref<1000448xi32, #tpu.memory_space<hbm>>
      tpu.wait_indirect_dma semaphore(%arg25 : memref<!tpu.dma_semaphore, #tpu.memory_space<semaphore_mem>>) src(%dma_wait3A_228 : memref<1000448xi32, #tpu.memory_space<hbm>>) dst(%dma_wait3A_225 : memref<128xi32, #tpu.memory_space<vmem>>)
      %dma_wait3A_229 = arith.constant 384 : i32
      %dma_wait3A_230 = tpu.memref_slice %arg14[%dma_wait3A_229] : memref<1024xi32, #tpu.memory_space<vmem>> -> memref<128xi32, #tpu.memory_space<vmem>>
      %dma_wait3A_231 = tpu.memref_slice %arg12[%add3A_85] : memref<16384xi32, #tpu.memory_space<vmem>> -> memref<128xi32, #tpu.memory_space<vmem>>
      %dma_wait3A_232 = arith.constant 0 : i32
      %dma_wait3A_233 = tpu.memref_slice %arg9[%dma_wait3A_232] : memref<1000448xi32, #tpu.memory_space<hbm>> -> memref<1000448xi32, #tpu.memory_space<hbm>>
      tpu.wait_indirect_dma semaphore(%arg25 : memref<!tpu.dma_semaphore, #tpu.memory_space<semaphore_mem>>) src(%dma_wait3A_233 : memref<1000448xi32, #tpu.memory_space<hbm>>) dst(%dma_wait3A_230 : memref<128xi32, #tpu.memory_space<vmem>>)
      %dma_wait3A_234 = arith.constant 512 : i32
      %dma_wait3A_235 = tpu.memref_slice %arg14[%dma_wait3A_234] : memref<1024xi32, #tpu.memory_space<vmem>> -> memref<128xi32, #tpu.memory_space<vmem>>
      %dma_wait3A_236 = tpu.memref_slice %arg12[%add3A_110] : memref<16384xi32, #tpu.memory_space<vmem>> -> memref<128xi32, #tpu.memory_space<vmem>>
      %dma_wait3A_237 = arith.constant 0 : i32
      %dma_wait3A_238 = tpu.memref_slice %arg9[%dma_wait3A_237] : memref<1000448xi32, #tpu.memory_space<hbm>> -> memref<1000448xi32, #tpu.memory_space<hbm>>
      tpu.wait_indirect_dma semaphore(%arg25 : memref<!tpu.dma_semaphore, #tpu.memory_space<semaphore_mem>>) src(%dma_wait3A_238 : memref<1000448xi32, #tpu.memory_space<hbm>>) dst(%dma_wait3A_235 : memref<128xi32, #tpu.memory_space<vmem>>)
      %dma_wait3A_239 = arith.constant 640 : i32
      %dma_wait3A_240 = tpu.memref_slice %arg14[%dma_wait3A_239] : memref<1024xi32, #tpu.memory_space<vmem>> -> memref<128xi32, #tpu.memory_space<vmem>>
      %dma_wait3A_241 = tpu.memref_slice %arg12[%add3A_135] : memref<16384xi32, #tpu.memory_space<vmem>> -> memref<128xi32, #tpu.memory_space<vmem>>
      %dma_wait3A_242 = arith.constant 0 : i32
      %dma_wait3A_243 = tpu.memref_slice %arg9[%dma_wait3A_242] : memref<1000448xi32, #tpu.memory_space<hbm>> -> memref<1000448xi32, #tpu.memory_space<hbm>>
      tpu.wait_indirect_dma semaphore(%arg25 : memref<!tpu.dma_semaphore, #tpu.memory_space<semaphore_mem>>) src(%dma_wait3A_243 : memref<1000448xi32, #tpu.memory_space<hbm>>) dst(%dma_wait3A_240 : memref<128xi32, #tpu.memory_space<vmem>>)
      %dma_wait3A_244 = arith.constant 768 : i32
      %dma_wait3A_245 = tpu.memref_slice %arg14[%dma_wait3A_244] : memref<1024xi32, #tpu.memory_space<vmem>> -> memref<128xi32, #tpu.memory_space<vmem>>
      %dma_wait3A_246 = tpu.memref_slice %arg12[%add3A_160] : memref<16384xi32, #tpu.memory_space<vmem>> -> memref<128xi32, #tpu.memory_space<vmem>>
      %dma_wait3A_247 = arith.constant 0 : i32
      %dma_wait3A_248 = tpu.memref_slice %arg9[%dma_wait3A_247] : memref<1000448xi32, #tpu.memory_space<hbm>> -> memref<1000448xi32, #tpu.memory_space<hbm>>
      tpu.wait_indirect_dma semaphore(%arg25 : memref<!tpu.dma_semaphore, #tpu.memory_space<semaphore_mem>>) src(%dma_wait3A_248 : memref<1000448xi32, #tpu.memory_space<hbm>>) dst(%dma_wait3A_245 : memref<128xi32, #tpu.memory_space<vmem>>)
      %dma_wait3A_249 = arith.constant 896 : i32
      %dma_wait3A_250 = tpu.memref_slice %arg14[%dma_wait3A_249] : memref<1024xi32, #tpu.memory_space<vmem>> -> memref<128xi32, #tpu.memory_space<vmem>>
      %dma_wait3A_251 = tpu.memref_slice %arg12[%add3A_185] : memref<16384xi32, #tpu.memory_space<vmem>> -> memref<128xi32, #tpu.memory_space<vmem>>
      %dma_wait3A_252 = arith.constant 0 : i32
      %dma_wait3A_253 = tpu.memref_slice %arg9[%dma_wait3A_252] : memref<1000448xi32, #tpu.memory_space<hbm>> -> memref<1000448xi32, #tpu.memory_space<hbm>>
      tpu.wait_indirect_dma semaphore(%arg25 : memref<!tpu.dma_semaphore, #tpu.memory_space<semaphore_mem>>) src(%dma_wait3A_253 : memref<1000448xi32, #tpu.memory_space<hbm>>) dst(%dma_wait3A_250 : memref<128xi32, #tpu.memory_space<vmem>>)
      %dma_start3A_254 = arith.constant 0 : i32
      %dma_start3A_255 = tpu.memref_slice %arg17[%dma_start3A_254] : memref<1024xf32, #tpu.memory_space<vmem>> -> memref<128xf32, #tpu.memory_space<vmem>>
      %dma_start3A_256 = arith.constant 0 : i32
      %dma_start3A_257 = tpu.memref_slice %arg14[%dma_start3A_256] : memref<1024xi32, #tpu.memory_space<vmem>> -> memref<128xi32, #tpu.memory_space<vmem>>
      %dma_start3A_258 = arith.constant 0 : i32
      %dma_start3A_259 = tpu.memref_slice %arg3[%dma_start3A_258] : memref<16384xf32, #tpu.memory_space<hbm>> -> memref<16384xf32, #tpu.memory_space<hbm>>
      tpu.enqueue_indirect_dma source(%dma_start3A_259 : memref<16384xf32, #tpu.memory_space<hbm>>) target(%dma_start3A_255 : memref<128xf32, #tpu.memory_space<vmem>>) offsets(%dma_start3A_257 : memref<128xi32, #tpu.memory_space<vmem>>) semaphore(%arg28 : memref<!tpu.dma_semaphore, #tpu.memory_space<semaphore_mem>>)
      %dma_start3A_260 = arith.constant 0 : i32
      %dma_start3A_261 = tpu.memref_slice %arg18[%dma_start3A_260] : memref<1024xf32, #tpu.memory_space<vmem>> -> memref<128xf32, #tpu.memory_space<vmem>>
      %dma_start3A_262 = arith.constant 0 : i32
      %dma_start3A_263 = tpu.memref_slice %arg14[%dma_start3A_262] : memref<1024xi32, #tpu.memory_space<vmem>> -> memref<128xi32, #tpu.memory_space<vmem>>
      %dma_start3A_264 = arith.constant 0 : i32
      %dma_start3A_265 = tpu.memref_slice %arg4[%dma_start3A_264] : memref<16384xf32, #tpu.memory_space<hbm>> -> memref<16384xf32, #tpu.memory_space<hbm>>
      tpu.enqueue_indirect_dma source(%dma_start3A_265 : memref<16384xf32, #tpu.memory_space<hbm>>) target(%dma_start3A_261 : memref<128xf32, #tpu.memory_space<vmem>>) offsets(%dma_start3A_263 : memref<128xi32, #tpu.memory_space<vmem>>) semaphore(%arg28 : memref<!tpu.dma_semaphore, #tpu.memory_space<semaphore_mem>>)
      %dma_start3A_266 = arith.constant 128 : i32
      %dma_start3A_267 = tpu.memref_slice %arg17[%dma_start3A_266] : memref<1024xf32, #tpu.memory_space<vmem>> -> memref<128xf32, #tpu.memory_space<vmem>>
      %dma_start3A_268 = arith.constant 128 : i32
      %dma_start3A_269 = tpu.memref_slice %arg14[%dma_start3A_268] : memref<1024xi32, #tpu.memory_space<vmem>> -> memref<128xi32, #tpu.memory_space<vmem>>
      %dma_start3A_270 = arith.constant 0 : i32
      %dma_start3A_271 = tpu.memref_slice %arg3[%dma_start3A_270] : memref<16384xf32, #tpu.memory_space<hbm>> -> memref<16384xf32, #tpu.memory_space<hbm>>
      tpu.enqueue_indirect_dma source(%dma_start3A_271 : memref<16384xf32, #tpu.memory_space<hbm>>) target(%dma_start3A_267 : memref<128xf32, #tpu.memory_space<vmem>>) offsets(%dma_start3A_269 : memref<128xi32, #tpu.memory_space<vmem>>) semaphore(%arg28 : memref<!tpu.dma_semaphore, #tpu.memory_space<semaphore_mem>>)
      %dma_start3A_272 = arith.constant 128 : i32
      %dma_start3A_273 = tpu.memref_slice %arg18[%dma_start3A_272] : memref<1024xf32, #tpu.memory_space<vmem>> -> memref<128xf32, #tpu.memory_space<vmem>>
      %dma_start3A_274 = arith.constant 128 : i32
      %dma_start3A_275 = tpu.memref_slice %arg14[%dma_start3A_274] : memref<1024xi32, #tpu.memory_space<vmem>> -> memref<128xi32, #tpu.memory_space<vmem>>
      %dma_start3A_276 = arith.constant 0 : i32
      %dma_start3A_277 = tpu.memref_slice %arg4[%dma_start3A_276] : memref<16384xf32, #tpu.memory_space<hbm>> -> memref<16384xf32, #tpu.memory_space<hbm>>
      tpu.enqueue_indirect_dma source(%dma_start3A_277 : memref<16384xf32, #tpu.memory_space<hbm>>) target(%dma_start3A_273 : memref<128xf32, #tpu.memory_space<vmem>>) offsets(%dma_start3A_275 : memref<128xi32, #tpu.memory_space<vmem>>) semaphore(%arg28 : memref<!tpu.dma_semaphore, #tpu.memory_space<semaphore_mem>>)
      %dma_start3A_278 = arith.constant 256 : i32
      %dma_start3A_279 = tpu.memref_slice %arg17[%dma_start3A_278] : memref<1024xf32, #tpu.memory_space<vmem>> -> memref<128xf32, #tpu.memory_space<vmem>>
      %dma_start3A_280 = arith.constant 256 : i32
      %dma_start3A_281 = tpu.memref_slice %arg14[%dma_start3A_280] : memref<1024xi32, #tpu.memory_space<vmem>> -> memref<128xi32, #tpu.memory_space<vmem>>
      %dma_start3A_282 = arith.constant 0 : i32
      %dma_start3A_283 = tpu.memref_slice %arg3[%dma_start3A_282] : memref<16384xf32, #tpu.memory_space<hbm>> -> memref<16384xf32, #tpu.memory_space<hbm>>
      tpu.enqueue_indirect_dma source(%dma_start3A_283 : memref<16384xf32, #tpu.memory_space<hbm>>) target(%dma_start3A_279 : memref<128xf32, #tpu.memory_space<vmem>>) offsets(%dma_start3A_281 : memref<128xi32, #tpu.memory_space<vmem>>) semaphore(%arg28 : memref<!tpu.dma_semaphore, #tpu.memory_space<semaphore_mem>>)
      %dma_start3A_284 = arith.constant 256 : i32
      %dma_start3A_285 = tpu.memref_slice %arg18[%dma_start3A_284] : memref<1024xf32, #tpu.memory_space<vmem>> -> memref<128xf32, #tpu.memory_space<vmem>>
      %dma_start3A_286 = arith.constant 256 : i32
      %dma_start3A_287 = tpu.memref_slice %arg14[%dma_start3A_286] : memref<1024xi32, #tpu.memory_space<vmem>> -> memref<128xi32, #tpu.memory_space<vmem>>
      %dma_start3A_288 = arith.constant 0 : i32
      %dma_start3A_289 = tpu.memref_slice %arg4[%dma_start3A_288] : memref<16384xf32, #tpu.memory_space<hbm>> -> memref<16384xf32, #tpu.memory_space<hbm>>
      tpu.enqueue_indirect_dma source(%dma_start3A_289 : memref<16384xf32, #tpu.memory_space<hbm>>) target(%dma_start3A_285 : memref<128xf32, #tpu.memory_space<vmem>>) offsets(%dma_start3A_287 : memref<128xi32, #tpu.memory_space<vmem>>) semaphore(%arg28 : memref<!tpu.dma_semaphore, #tpu.memory_space<semaphore_mem>>)
      %dma_start3A_290 = arith.constant 384 : i32
      %dma_start3A_291 = tpu.memref_slice %arg17[%dma_start3A_290] : memref<1024xf32, #tpu.memory_space<vmem>> -> memref<128xf32, #tpu.memory_space<vmem>>
      %dma_start3A_292 = arith.constant 384 : i32
      %dma_start3A_293 = tpu.memref_slice %arg14[%dma_start3A_292] : memref<1024xi32, #tpu.memory_space<vmem>> -> memref<128xi32, #tpu.memory_space<vmem>>
      %dma_start3A_294 = arith.constant 0 : i32
      %dma_start3A_295 = tpu.memref_slice %arg3[%dma_start3A_294] : memref<16384xf32, #tpu.memory_space<hbm>> -> memref<16384xf32, #tpu.memory_space<hbm>>
      tpu.enqueue_indirect_dma source(%dma_start3A_295 : memref<16384xf32, #tpu.memory_space<hbm>>) target(%dma_start3A_291 : memref<128xf32, #tpu.memory_space<vmem>>) offsets(%dma_start3A_293 : memref<128xi32, #tpu.memory_space<vmem>>) semaphore(%arg28 : memref<!tpu.dma_semaphore, #tpu.memory_space<semaphore_mem>>)
      %dma_start3A_296 = arith.constant 384 : i32
      %dma_start3A_297 = tpu.memref_slice %arg18[%dma_start3A_296] : memref<1024xf32, #tpu.memory_space<vmem>> -> memref<128xf32, #tpu.memory_space<vmem>>
      %dma_start3A_298 = arith.constant 384 : i32
      %dma_start3A_299 = tpu.memref_slice %arg14[%dma_start3A_298] : memref<1024xi32, #tpu.memory_space<vmem>> -> memref<128xi32, #tpu.memory_space<vmem>>
      %dma_start3A_300 = arith.constant 0 : i32
      %dma_start3A_301 = tpu.memref_slice %arg4[%dma_start3A_300] : memref<16384xf32, #tpu.memory_space<hbm>> -> memref<16384xf32, #tpu.memory_space<hbm>>
      tpu.enqueue_indirect_dma source(%dma_start3A_301 : memref<16384xf32, #tpu.memory_space<hbm>>) target(%dma_start3A_297 : memref<128xf32, #tpu.memory_space<vmem>>) offsets(%dma_start3A_299 : memref<128xi32, #tpu.memory_space<vmem>>) semaphore(%arg28 : memref<!tpu.dma_semaphore, #tpu.memory_space<semaphore_mem>>)
      %dma_start3A_302 = arith.constant 512 : i32
      %dma_start3A_303 = tpu.memref_slice %arg17[%dma_start3A_302] : memref<1024xf32, #tpu.memory_space<vmem>> -> memref<128xf32, #tpu.memory_space<vmem>>
      %dma_start3A_304 = arith.constant 512 : i32
      %dma_start3A_305 = tpu.memref_slice %arg14[%dma_start3A_304] : memref<1024xi32, #tpu.memory_space<vmem>> -> memref<128xi32, #tpu.memory_space<vmem>>
      %dma_start3A_306 = arith.constant 0 : i32
      %dma_start3A_307 = tpu.memref_slice %arg3[%dma_start3A_306] : memref<16384xf32, #tpu.memory_space<hbm>> -> memref<16384xf32, #tpu.memory_space<hbm>>
      tpu.enqueue_indirect_dma source(%dma_start3A_307 : memref<16384xf32, #tpu.memory_space<hbm>>) target(%dma_start3A_303 : memref<128xf32, #tpu.memory_space<vmem>>) offsets(%dma_start3A_305 : memref<128xi32, #tpu.memory_space<vmem>>) semaphore(%arg28 : memref<!tpu.dma_semaphore, #tpu.memory_space<semaphore_mem>>)
      %dma_start3A_308 = arith.constant 512 : i32
      %dma_start3A_309 = tpu.memref_slice %arg18[%dma_start3A_308] : memref<1024xf32, #tpu.memory_space<vmem>> -> memref<128xf32, #tpu.memory_space<vmem>>
      %dma_start3A_310 = arith.constant 512 : i32
      %dma_start3A_311 = tpu.memref_slice %arg14[%dma_start3A_310] : memref<1024xi32, #tpu.memory_space<vmem>> -> memref<128xi32, #tpu.memory_space<vmem>>
      %dma_start3A_312 = arith.constant 0 : i32
      %dma_start3A_313 = tpu.memref_slice %arg4[%dma_start3A_312] : memref<16384xf32, #tpu.memory_space<hbm>> -> memref<16384xf32, #tpu.memory_space<hbm>>
      tpu.enqueue_indirect_dma source(%dma_start3A_313 : memref<16384xf32, #tpu.memory_space<hbm>>) target(%dma_start3A_309 : memref<128xf32, #tpu.memory_space<vmem>>) offsets(%dma_start3A_311 : memref<128xi32, #tpu.memory_space<vmem>>) semaphore(%arg28 : memref<!tpu.dma_semaphore, #tpu.memory_space<semaphore_mem>>)
      %dma_start3A_314 = arith.constant 640 : i32
      %dma_start3A_315 = tpu.memref_slice %arg17[%dma_start3A_314] : memref<1024xf32, #tpu.memory_space<vmem>> -> memref<128xf32, #tpu.memory_space<vmem>>
      %dma_start3A_316 = arith.constant 640 : i32
      %dma_start3A_317 = tpu.memref_slice %arg14[%dma_start3A_316] : memref<1024xi32, #tpu.memory_space<vmem>> -> memref<128xi32, #tpu.memory_space<vmem>>
      %dma_start3A_318 = arith.constant 0 : i32
      %dma_start3A_319 = tpu.memref_slice %arg3[%dma_start3A_318] : memref<16384xf32, #tpu.memory_space<hbm>> -> memref<16384xf32, #tpu.memory_space<hbm>>
      tpu.enqueue_indirect_dma source(%dma_start3A_319 : memref<16384xf32, #tpu.memory_space<hbm>>) target(%dma_start3A_315 : memref<128xf32, #tpu.memory_space<vmem>>) offsets(%dma_start3A_317 : memref<128xi32, #tpu.memory_space<vmem>>) semaphore(%arg28 : memref<!tpu.dma_semaphore, #tpu.memory_space<semaphore_mem>>)
      %dma_start3A_320 = arith.constant 640 : i32
      %dma_start3A_321 = tpu.memref_slice %arg18[%dma_start3A_320] : memref<1024xf32, #tpu.memory_space<vmem>> -> memref<128xf32, #tpu.memory_space<vmem>>
      %dma_start3A_322 = arith.constant 640 : i32
      %dma_start3A_323 = tpu.memref_slice %arg14[%dma_start3A_322] : memref<1024xi32, #tpu.memory_space<vmem>> -> memref<128xi32, #tpu.memory_space<vmem>>
      %dma_start3A_324 = arith.constant 0 : i32
      %dma_start3A_325 = tpu.memref_slice %arg4[%dma_start3A_324] : memref<16384xf32, #tpu.memory_space<hbm>> -> memref<16384xf32, #tpu.memory_space<hbm>>
      tpu.enqueue_indirect_dma source(%dma_start3A_325 : memref<16384xf32, #tpu.memory_space<hbm>>) target(%dma_start3A_321 : memref<128xf32, #tpu.memory_space<vmem>>) offsets(%dma_start3A_323 : memref<128xi32, #tpu.memory_space<vmem>>) semaphore(%arg28 : memref<!tpu.dma_semaphore, #tpu.memory_space<semaphore_mem>>)
      %dma_start3A_326 = arith.constant 768 : i32
      %dma_start3A_327 = tpu.memref_slice %arg17[%dma_start3A_326] : memref<1024xf32, #tpu.memory_space<vmem>> -> memref<128xf32, #tpu.memory_space<vmem>>
      %dma_start3A_328 = arith.constant 768 : i32
      %dma_start3A_329 = tpu.memref_slice %arg14[%dma_start3A_328] : memref<1024xi32, #tpu.memory_space<vmem>> -> memref<128xi32, #tpu.memory_space<vmem>>
      %dma_start3A_330 = arith.constant 0 : i32
      %dma_start3A_331 = tpu.memref_slice %arg3[%dma_start3A_330] : memref<16384xf32, #tpu.memory_space<hbm>> -> memref<16384xf32, #tpu.memory_space<hbm>>
      tpu.enqueue_indirect_dma source(%dma_start3A_331 : memref<16384xf32, #tpu.memory_space<hbm>>) target(%dma_start3A_327 : memref<128xf32, #tpu.memory_space<vmem>>) offsets(%dma_start3A_329 : memref<128xi32, #tpu.memory_space<vmem>>) semaphore(%arg28 : memref<!tpu.dma_semaphore, #tpu.memory_space<semaphore_mem>>)
      %dma_start3A_332 = arith.constant 768 : i32
      %dma_start3A_333 = tpu.memref_slice %arg18[%dma_start3A_332] : memref<1024xf32, #tpu.memory_space<vmem>> -> memref<128xf32, #tpu.memory_space<vmem>>
      %dma_start3A_334 = arith.constant 768 : i32
      %dma_start3A_335 = tpu.memref_slice %arg14[%dma_start3A_334] : memref<1024xi32, #tpu.memory_space<vmem>> -> memref<128xi32, #tpu.memory_space<vmem>>
      %dma_start3A_336 = arith.constant 0 : i32
      %dma_start3A_337 = tpu.memref_slice %arg4[%dma_start3A_336] : memref<16384xf32, #tpu.memory_space<hbm>> -> memref<16384xf32, #tpu.memory_space<hbm>>
      tpu.enqueue_indirect_dma source(%dma_start3A_337 : memref<16384xf32, #tpu.memory_space<hbm>>) target(%dma_start3A_333 : memref<128xf32, #tpu.memory_space<vmem>>) offsets(%dma_start3A_335 : memref<128xi32, #tpu.memory_space<vmem>>) semaphore(%arg28 : memref<!tpu.dma_semaphore, #tpu.memory_space<semaphore_mem>>)
      %dma_start3A_338 = arith.constant 896 : i32
      %dma_start3A_339 = tpu.memref_slice %arg17[%dma_start3A_338] : memref<1024xf32, #tpu.memory_space<vmem>> -> memref<128xf32, #tpu.memory_space<vmem>>
      %dma_start3A_340 = arith.constant 896 : i32
      %dma_start3A_341 = tpu.memref_slice %arg14[%dma_start3A_340] : memref<1024xi32, #tpu.memory_space<vmem>> -> memref<128xi32, #tpu.memory_space<vmem>>
      %dma_start3A_342 = arith.constant 0 : i32
      %dma_start3A_343 = tpu.memref_slice %arg3[%dma_start3A_342] : memref<16384xf32, #tpu.memory_space<hbm>> -> memref<16384xf32, #tpu.memory_space<hbm>>
      tpu.enqueue_indirect_dma source(%dma_start3A_343 : memref<16384xf32, #tpu.memory_space<hbm>>) target(%dma_start3A_339 : memref<128xf32, #tpu.memory_space<vmem>>) offsets(%dma_start3A_341 : memref<128xi32, #tpu.memory_space<vmem>>) semaphore(%arg28 : memref<!tpu.dma_semaphore, #tpu.memory_space<semaphore_mem>>)
      %dma_start3A_344 = arith.constant 896 : i32
      %dma_start3A_345 = tpu.memref_slice %arg18[%dma_start3A_344] : memref<1024xf32, #tpu.memory_space<vmem>> -> memref<128xf32, #tpu.memory_space<vmem>>
      %dma_start3A_346 = arith.constant 896 : i32
      %dma_start3A_347 = tpu.memref_slice %arg14[%dma_start3A_346] : memref<1024xi32, #tpu.memory_space<vmem>> -> memref<128xi32, #tpu.memory_space<vmem>>
      %dma_start3A_348 = arith.constant 0 : i32
      %dma_start3A_349 = tpu.memref_slice %arg4[%dma_start3A_348] : memref<16384xf32, #tpu.memory_space<hbm>> -> memref<16384xf32, #tpu.memory_space<hbm>>
      tpu.enqueue_indirect_dma source(%dma_start3A_349 : memref<16384xf32, #tpu.memory_space<hbm>>) target(%dma_start3A_345 : memref<128xf32, #tpu.memory_space<vmem>>) offsets(%dma_start3A_347 : memref<128xi32, #tpu.memory_space<vmem>>) semaphore(%arg28 : memref<!tpu.dma_semaphore, #tpu.memory_space<semaphore_mem>>)
      %dma_wait3A_350 = arith.constant 0 : i32
      %dma_wait3A_351 = arith.constant 0 : i32
      %dma_wait3A_352 = tpu.memref_slice %arg15[%dma_wait3A_351] : memref<1024xf32, #tpu.memory_space<vmem>> -> memref<128xf32, #tpu.memory_space<vmem>>
      %dma_wait3A_353 = tpu.memref_slice %arg12[%add3A_11] : memref<16384xi32, #tpu.memory_space<vmem>> -> memref<128xi32, #tpu.memory_space<vmem>>
      %dma_wait3A_354 = arith.constant 0 : i32
      %dma_wait3A_355 = tpu.memref_slice %arg6[%dma_wait3A_350, %dma_wait3A_354] : memref<1x1000000xf32, #tpu.memory_space<hbm>> -> memref<1x1000000xf32, #tpu.memory_space<hbm>>
      %dma_wait3A_356 = tpu.memref_squeeze %dma_wait3A_355 : memref<1x1000000xf32, #tpu.memory_space<hbm>> -> memref<1000000xf32, #tpu.memory_space<hbm>>
      %dma_wait3A_357 = arith.constant 0 : i32
      %dma_wait3A_358 = tpu.memref_slice %dma_wait3A_356[%dma_wait3A_357] : memref<1000000xf32, #tpu.memory_space<hbm>> -> memref<1000000xf32, #tpu.memory_space<hbm>>
      tpu.wait_indirect_dma semaphore(%arg26 : memref<!tpu.dma_semaphore, #tpu.memory_space<semaphore_mem>>) src(%dma_wait3A_358 : memref<1000000xf32, #tpu.memory_space<hbm>>) dst(%dma_wait3A_352 : memref<128xf32, #tpu.memory_space<vmem>>)
      %dma_wait3A_359 = arith.constant 0 : i32
      %dma_wait3A_360 = arith.constant 0 : i32
      %dma_wait3A_361 = tpu.memref_slice %arg16[%dma_wait3A_360] : memref<1024xf32, #tpu.memory_space<vmem>> -> memref<128xf32, #tpu.memory_space<vmem>>
      %dma_wait3A_362 = tpu.memref_slice %arg12[%add3A_11] : memref<16384xi32, #tpu.memory_space<vmem>> -> memref<128xi32, #tpu.memory_space<vmem>>
      %dma_wait3A_363 = arith.constant 0 : i32
      %dma_wait3A_364 = tpu.memref_slice %arg7[%dma_wait3A_359, %dma_wait3A_363] : memref<1x1000000xf32, #tpu.memory_space<hbm>> -> memref<1x1000000xf32, #tpu.memory_space<hbm>>
      %dma_wait3A_365 = tpu.memref_squeeze %dma_wait3A_364 : memref<1x1000000xf32, #tpu.memory_space<hbm>> -> memref<1000000xf32, #tpu.memory_space<hbm>>
      %dma_wait3A_366 = arith.constant 0 : i32
      %dma_wait3A_367 = tpu.memref_slice %dma_wait3A_365[%dma_wait3A_366] : memref<1000000xf32, #tpu.memory_space<hbm>> -> memref<1000000xf32, #tpu.memory_space<hbm>>
      tpu.wait_indirect_dma semaphore(%arg26 : memref<!tpu.dma_semaphore, #tpu.memory_space<semaphore_mem>>) src(%dma_wait3A_367 : memref<1000000xf32, #tpu.memory_space<hbm>>) dst(%dma_wait3A_361 : memref<128xf32, #tpu.memory_space<vmem>>)
      %dma_wait3A_368 = arith.constant 0 : i32
      %dma_wait3A_369 = arith.constant 128 : i32
      %dma_wait3A_370 = tpu.memref_slice %arg15[%dma_wait3A_369] : memref<1024xf32, #tpu.memory_space<vmem>> -> memref<128xf32, #tpu.memory_space<vmem>>
      %dma_wait3A_371 = tpu.memref_slice %arg12[%add3A_35] : memref<16384xi32, #tpu.memory_space<vmem>> -> memref<128xi32, #tpu.memory_space<vmem>>
      %dma_wait3A_372 = arith.constant 0 : i32
      %dma_wait3A_373 = tpu.memref_slice %arg6[%dma_wait3A_368, %dma_wait3A_372] : memref<1x1000000xf32, #tpu.memory_space<hbm>> -> memref<1x1000000xf32, #tpu.memory_space<hbm>>
      %dma_wait3A_374 = tpu.memref_squeeze %dma_wait3A_373 : memref<1x1000000xf32, #tpu.memory_space<hbm>> -> memref<1000000xf32, #tpu.memory_space<hbm>>
      %dma_wait3A_375 = arith.constant 0 : i32
      %dma_wait3A_376 = tpu.memref_slice %dma_wait3A_374[%dma_wait3A_375] : memref<1000000xf32, #tpu.memory_space<hbm>> -> memref<1000000xf32, #tpu.memory_space<hbm>>
      tpu.wait_indirect_dma semaphore(%arg26 : memref<!tpu.dma_semaphore, #tpu.memory_space<semaphore_mem>>) src(%dma_wait3A_376 : memref<1000000xf32, #tpu.memory_space<hbm>>) dst(%dma_wait3A_370 : memref<128xf32, #tpu.memory_space<vmem>>)
      %dma_wait3A_377 = arith.constant 0 : i32
      %dma_wait3A_378 = arith.constant 128 : i32
      %dma_wait3A_379 = tpu.memref_slice %arg16[%dma_wait3A_378] : memref<1024xf32, #tpu.memory_space<vmem>> -> memref<128xf32, #tpu.memory_space<vmem>>
      %dma_wait3A_380 = tpu.memref_slice %arg12[%add3A_35] : memref<16384xi32, #tpu.memory_space<vmem>> -> memref<128xi32, #tpu.memory_space<vmem>>
      %dma_wait3A_381 = arith.constant 0 : i32
      %dma_wait3A_382 = tpu.memref_slice %arg7[%dma_wait3A_377, %dma_wait3A_381] : memref<1x1000000xf32, #tpu.memory_space<hbm>> -> memref<1x1000000xf32, #tpu.memory_space<hbm>>
      %dma_wait3A_383 = tpu.memref_squeeze %dma_wait3A_382 : memref<1x1000000xf32, #tpu.memory_space<hbm>> -> memref<1000000xf32, #tpu.memory_space<hbm>>
      %dma_wait3A_384 = arith.constant 0 : i32
      %dma_wait3A_385 = tpu.memref_slice %dma_wait3A_383[%dma_wait3A_384] : memref<1000000xf32, #tpu.memory_space<hbm>> -> memref<1000000xf32, #tpu.memory_space<hbm>>
      tpu.wait_indirect_dma semaphore(%arg26 : memref<!tpu.dma_semaphore, #tpu.memory_space<semaphore_mem>>) src(%dma_wait3A_385 : memref<1000000xf32, #tpu.memory_space<hbm>>) dst(%dma_wait3A_379 : memref<128xf32, #tpu.memory_space<vmem>>)
      %dma_wait3A_386 = arith.constant 0 : i32
      %dma_wait3A_387 = arith.constant 256 : i32
      %dma_wait3A_388 = tpu.memref_slice %arg15[%dma_wait3A_387] : memref<1024xf32, #tpu.memory_space<vmem>> -> memref<128xf32, #tpu.memory_space<vmem>>
      %dma_wait3A_389 = tpu.memref_slice %arg12[%add3A_60] : memref<16384xi32, #tpu.memory_space<vmem>> -> memref<128xi32, #tpu.memory_space<vmem>>
      %dma_wait3A_390 = arith.constant 0 : i32
      %dma_wait3A_391 = tpu.memref_slice %arg6[%dma_wait3A_386, %dma_wait3A_390] : memref<1x1000000xf32, #tpu.memory_space<hbm>> -> memref<1x1000000xf32, #tpu.memory_space<hbm>>
      %dma_wait3A_392 = tpu.memref_squeeze %dma_wait3A_391 : memref<1x1000000xf32, #tpu.memory_space<hbm>> -> memref<1000000xf32, #tpu.memory_space<hbm>>
      %dma_wait3A_393 = arith.constant 0 : i32
      %dma_wait3A_394 = tpu.memref_slice %dma_wait3A_392[%dma_wait3A_393] : memref<1000000xf32, #tpu.memory_space<hbm>> -> memref<1000000xf32, #tpu.memory_space<hbm>>
      tpu.wait_indirect_dma semaphore(%arg26 : memref<!tpu.dma_semaphore, #tpu.memory_space<semaphore_mem>>) src(%dma_wait3A_394 : memref<1000000xf32, #tpu.memory_space<hbm>>) dst(%dma_wait3A_388 : memref<128xf32, #tpu.memory_space<vmem>>)
      %dma_wait3A_395 = arith.constant 0 : i32
      %dma_wait3A_396 = arith.constant 256 : i32
      %dma_wait3A_397 = tpu.memref_slice %arg16[%dma_wait3A_396] : memref<1024xf32, #tpu.memory_space<vmem>> -> memref<128xf32, #tpu.memory_space<vmem>>
      %dma_wait3A_398 = tpu.memref_slice %arg12[%add3A_60] : memref<16384xi32, #tpu.memory_space<vmem>> -> memref<128xi32, #tpu.memory_space<vmem>>
      %dma_wait3A_399 = arith.constant 0 : i32
      %dma_wait3A_400 = tpu.memref_slice %arg7[%dma_wait3A_395, %dma_wait3A_399] : memref<1x1000000xf32, #tpu.memory_space<hbm>> -> memref<1x1000000xf32, #tpu.memory_space<hbm>>
      %dma_wait3A_401 = tpu.memref_squeeze %dma_wait3A_400 : memref<1x1000000xf32, #tpu.memory_space<hbm>> -> memref<1000000xf32, #tpu.memory_space<hbm>>
      %dma_wait3A_402 = arith.constant 0 : i32
      %dma_wait3A_403 = tpu.memref_slice %dma_wait3A_401[%dma_wait3A_402] : memref<1000000xf32, #tpu.memory_space<hbm>> -> memref<1000000xf32, #tpu.memory_space<hbm>>
      tpu.wait_indirect_dma semaphore(%arg26 : memref<!tpu.dma_semaphore, #tpu.memory_space<semaphore_mem>>) src(%dma_wait3A_403 : memref<1000000xf32, #tpu.memory_space<hbm>>) dst(%dma_wait3A_397 : memref<128xf32, #tpu.memory_space<vmem>>)
      %dma_wait3A_404 = arith.constant 0 : i32
      %dma_wait3A_405 = arith.constant 384 : i32
      %dma_wait3A_406 = tpu.memref_slice %arg15[%dma_wait3A_405] : memref<1024xf32, #tpu.memory_space<vmem>> -> memref<128xf32, #tpu.memory_space<vmem>>
      %dma_wait3A_407 = tpu.memref_slice %arg12[%add3A_85] : memref<16384xi32, #tpu.memory_space<vmem>> -> memref<128xi32, #tpu.memory_space<vmem>>
      %dma_wait3A_408 = arith.constant 0 : i32
      %dma_wait3A_409 = tpu.memref_slice %arg6[%dma_wait3A_404, %dma_wait3A_408] : memref<1x1000000xf32, #tpu.memory_space<hbm>> -> memref<1x1000000xf32, #tpu.memory_space<hbm>>
      %dma_wait3A_410 = tpu.memref_squeeze %dma_wait3A_409 : memref<1x1000000xf32, #tpu.memory_space<hbm>> -> memref<1000000xf32, #tpu.memory_space<hbm>>
      %dma_wait3A_411 = arith.constant 0 : i32
      %dma_wait3A_412 = tpu.memref_slice %dma_wait3A_410[%dma_wait3A_411] : memref<1000000xf32, #tpu.memory_space<hbm>> -> memref<1000000xf32, #tpu.memory_space<hbm>>
      tpu.wait_indirect_dma semaphore(%arg26 : memref<!tpu.dma_semaphore, #tpu.memory_space<semaphore_mem>>) src(%dma_wait3A_412 : memref<1000000xf32, #tpu.memory_space<hbm>>) dst(%dma_wait3A_406 : memref<128xf32, #tpu.memory_space<vmem>>)
      %dma_wait3A_413 = arith.constant 0 : i32
      %dma_wait3A_414 = arith.constant 384 : i32
      %dma_wait3A_415 = tpu.memref_slice %arg16[%dma_wait3A_414] : memref<1024xf32, #tpu.memory_space<vmem>> -> memref<128xf32, #tpu.memory_space<vmem>>
      %dma_wait3A_416 = tpu.memref_slice %arg12[%add3A_85] : memref<16384xi32, #tpu.memory_space<vmem>> -> memref<128xi32, #tpu.memory_space<vmem>>
      %dma_wait3A_417 = arith.constant 0 : i32
      %dma_wait3A_418 = tpu.memref_slice %arg7[%dma_wait3A_413, %dma_wait3A_417] : memref<1x1000000xf32, #tpu.memory_space<hbm>> -> memref<1x1000000xf32, #tpu.memory_space<hbm>>
      %dma_wait3A_419 = tpu.memref_squeeze %dma_wait3A_418 : memref<1x1000000xf32, #tpu.memory_space<hbm>> -> memref<1000000xf32, #tpu.memory_space<hbm>>
      %dma_wait3A_420 = arith.constant 0 : i32
      %dma_wait3A_421 = tpu.memref_slice %dma_wait3A_419[%dma_wait3A_420] : memref<1000000xf32, #tpu.memory_space<hbm>> -> memref<1000000xf32, #tpu.memory_space<hbm>>
      tpu.wait_indirect_dma semaphore(%arg26 : memref<!tpu.dma_semaphore, #tpu.memory_space<semaphore_mem>>) src(%dma_wait3A_421 : memref<1000000xf32, #tpu.memory_space<hbm>>) dst(%dma_wait3A_415 : memref<128xf32, #tpu.memory_space<vmem>>)
      %dma_wait3A_422 = arith.constant 0 : i32
      %dma_wait3A_423 = arith.constant 512 : i32
      %dma_wait3A_424 = tpu.memref_slice %arg15[%dma_wait3A_423] : memref<1024xf32, #tpu.memory_space<vmem>> -> memref<128xf32, #tpu.memory_space<vmem>>
      %dma_wait3A_425 = tpu.memref_slice %arg12[%add3A_110] : memref<16384xi32, #tpu.memory_space<vmem>> -> memref<128xi32, #tpu.memory_space<vmem>>
      %dma_wait3A_426 = arith.constant 0 : i32
      %dma_wait3A_427 = tpu.memref_slice %arg6[%dma_wait3A_422, %dma_wait3A_426] : memref<1x1000000xf32, #tpu.memory_space<hbm>> -> memref<1x1000000xf32, #tpu.memory_space<hbm>>
      %dma_wait3A_428 = tpu.memref_squeeze %dma_wait3A_427 : memref<1x1000000xf32, #tpu.memory_space<hbm>> -> memref<1000000xf32, #tpu.memory_space<hbm>>
      %dma_wait3A_429 = arith.constant 0 : i32
      %dma_wait3A_430 = tpu.memref_slice %dma_wait3A_428[%dma_wait3A_429] : memref<1000000xf32, #tpu.memory_space<hbm>> -> memref<1000000xf32, #tpu.memory_space<hbm>>
      tpu.wait_indirect_dma semaphore(%arg26 : memref<!tpu.dma_semaphore, #tpu.memory_space<semaphore_mem>>) src(%dma_wait3A_430 : memref<1000000xf32, #tpu.memory_space<hbm>>) dst(%dma_wait3A_424 : memref<128xf32, #tpu.memory_space<vmem>>)
      %dma_wait3A_431 = arith.constant 0 : i32
      %dma_wait3A_432 = arith.constant 512 : i32
      %dma_wait3A_433 = tpu.memref_slice %arg16[%dma_wait3A_432] : memref<1024xf32, #tpu.memory_space<vmem>> -> memref<128xf32, #tpu.memory_space<vmem>>
      %dma_wait3A_434 = tpu.memref_slice %arg12[%add3A_110] : memref<16384xi32, #tpu.memory_space<vmem>> -> memref<128xi32, #tpu.memory_space<vmem>>
      %dma_wait3A_435 = arith.constant 0 : i32
      %dma_wait3A_436 = tpu.memref_slice %arg7[%dma_wait3A_431, %dma_wait3A_435] : memref<1x1000000xf32, #tpu.memory_space<hbm>> -> memref<1x1000000xf32, #tpu.memory_space<hbm>>
      %dma_wait3A_437 = tpu.memref_squeeze %dma_wait3A_436 : memref<1x1000000xf32, #tpu.memory_space<hbm>> -> memref<1000000xf32, #tpu.memory_space<hbm>>
      %dma_wait3A_438 = arith.constant 0 : i32
      %dma_wait3A_439 = tpu.memref_slice %dma_wait3A_437[%dma_wait3A_438] : memref<1000000xf32, #tpu.memory_space<hbm>> -> memref<1000000xf32, #tpu.memory_space<hbm>>
      tpu.wait_indirect_dma semaphore(%arg26 : memref<!tpu.dma_semaphore, #tpu.memory_space<semaphore_mem>>) src(%dma_wait3A_439 : memref<1000000xf32, #tpu.memory_space<hbm>>) dst(%dma_wait3A_433 : memref<128xf32, #tpu.memory_space<vmem>>)
      %dma_wait3A_440 = arith.constant 0 : i32
      %dma_wait3A_441 = arith.constant 640 : i32
      %dma_wait3A_442 = tpu.memref_slice %arg15[%dma_wait3A_441] : memref<1024xf32, #tpu.memory_space<vmem>> -> memref<128xf32, #tpu.memory_space<vmem>>
      %dma_wait3A_443 = tpu.memref_slice %arg12[%add3A_135] : memref<16384xi32, #tpu.memory_space<vmem>> -> memref<128xi32, #tpu.memory_space<vmem>>
      %dma_wait3A_444 = arith.constant 0 : i32
      %dma_wait3A_445 = tpu.memref_slice %arg6[%dma_wait3A_440, %dma_wait3A_444] : memref<1x1000000xf32, #tpu.memory_space<hbm>> -> memref<1x1000000xf32, #tpu.memory_space<hbm>>
      %dma_wait3A_446 = tpu.memref_squeeze %dma_wait3A_445 : memref<1x1000000xf32, #tpu.memory_space<hbm>> -> memref<1000000xf32, #tpu.memory_space<hbm>>
      %dma_wait3A_447 = arith.constant 0 : i32
      %dma_wait3A_448 = tpu.memref_slice %dma_wait3A_446[%dma_wait3A_447] : memref<1000000xf32, #tpu.memory_space<hbm>> -> memref<1000000xf32, #tpu.memory_space<hbm>>
      tpu.wait_indirect_dma semaphore(%arg26 : memref<!tpu.dma_semaphore, #tpu.memory_space<semaphore_mem>>) src(%dma_wait3A_448 : memref<1000000xf32, #tpu.memory_space<hbm>>) dst(%dma_wait3A_442 : memref<128xf32, #tpu.memory_space<vmem>>)
      %dma_wait3A_449 = arith.constant 0 : i32
      %dma_wait3A_450 = arith.constant 640 : i32
      %dma_wait3A_451 = tpu.memref_slice %arg16[%dma_wait3A_450] : memref<1024xf32, #tpu.memory_space<vmem>> -> memref<128xf32, #tpu.memory_space<vmem>>
      %dma_wait3A_452 = tpu.memref_slice %arg12[%add3A_135] : memref<16384xi32, #tpu.memory_space<vmem>> -> memref<128xi32, #tpu.memory_space<vmem>>
      %dma_wait3A_453 = arith.constant 0 : i32
      %dma_wait3A_454 = tpu.memref_slice %arg7[%dma_wait3A_449, %dma_wait3A_453] : memref<1x1000000xf32, #tpu.memory_space<hbm>> -> memref<1x1000000xf32, #tpu.memory_space<hbm>>
      %dma_wait3A_455 = tpu.memref_squeeze %dma_wait3A_454 : memref<1x1000000xf32, #tpu.memory_space<hbm>> -> memref<1000000xf32, #tpu.memory_space<hbm>>
      %dma_wait3A_456 = arith.constant 0 : i32
      %dma_wait3A_457 = tpu.memref_slice %dma_wait3A_455[%dma_wait3A_456] : memref<1000000xf32, #tpu.memory_space<hbm>> -> memref<1000000xf32, #tpu.memory_space<hbm>>
      tpu.wait_indirect_dma semaphore(%arg26 : memref<!tpu.dma_semaphore, #tpu.memory_space<semaphore_mem>>) src(%dma_wait3A_457 : memref<1000000xf32, #tpu.memory_space<hbm>>) dst(%dma_wait3A_451 : memref<128xf32, #tpu.memory_space<vmem>>)
      %dma_wait3A_458 = arith.constant 0 : i32
      %dma_wait3A_459 = arith.constant 768 : i32
      %dma_wait3A_460 = tpu.memref_slice %arg15[%dma_wait3A_459] : memref<1024xf32, #tpu.memory_space<vmem>> -> memref<128xf32, #tpu.memory_space<vmem>>
      %dma_wait3A_461 = tpu.memref_slice %arg12[%add3A_160] : memref<16384xi32, #tpu.memory_space<vmem>> -> memref<128xi32, #tpu.memory_space<vmem>>
      %dma_wait3A_462 = arith.constant 0 : i32
      %dma_wait3A_463 = tpu.memref_slice %arg6[%dma_wait3A_458, %dma_wait3A_462] : memref<1x1000000xf32, #tpu.memory_space<hbm>> -> memref<1x1000000xf32, #tpu.memory_space<hbm>>
      %dma_wait3A_464 = tpu.memref_squeeze %dma_wait3A_463 : memref<1x1000000xf32, #tpu.memory_space<hbm>> -> memref<1000000xf32, #tpu.memory_space<hbm>>
      %dma_wait3A_465 = arith.constant 0 : i32
      %dma_wait3A_466 = tpu.memref_slice %dma_wait3A_464[%dma_wait3A_465] : memref<1000000xf32, #tpu.memory_space<hbm>> -> memref<1000000xf32, #tpu.memory_space<hbm>>
      tpu.wait_indirect_dma semaphore(%arg26 : memref<!tpu.dma_semaphore, #tpu.memory_space<semaphore_mem>>) src(%dma_wait3A_466 : memref<1000000xf32, #tpu.memory_space<hbm>>) dst(%dma_wait3A_460 : memref<128xf32, #tpu.memory_space<vmem>>)
      %dma_wait3A_467 = arith.constant 0 : i32
      %dma_wait3A_468 = arith.constant 768 : i32
      %dma_wait3A_469 = tpu.memref_slice %arg16[%dma_wait3A_468] : memref<1024xf32, #tpu.memory_space<vmem>> -> memref<128xf32, #tpu.memory_space<vmem>>
      %dma_wait3A_470 = tpu.memref_slice %arg12[%add3A_160] : memref<16384xi32, #tpu.memory_space<vmem>> -> memref<128xi32, #tpu.memory_space<vmem>>
      %dma_wait3A_471 = arith.constant 0 : i32
      %dma_wait3A_472 = tpu.memref_slice %arg7[%dma_wait3A_467, %dma_wait3A_471] : memref<1x1000000xf32, #tpu.memory_space<hbm>> -> memref<1x1000000xf32, #tpu.memory_space<hbm>>
      %dma_wait3A_473 = tpu.memref_squeeze %dma_wait3A_472 : memref<1x1000000xf32, #tpu.memory_space<hbm>> -> memref<1000000xf32, #tpu.memory_space<hbm>>
      %dma_wait3A_474 = arith.constant 0 : i32
      %dma_wait3A_475 = tpu.memref_slice %dma_wait3A_473[%dma_wait3A_474] : memref<1000000xf32, #tpu.memory_space<hbm>> -> memref<1000000xf32, #tpu.memory_space<hbm>>
      tpu.wait_indirect_dma semaphore(%arg26 : memref<!tpu.dma_semaphore, #tpu.memory_space<semaphore_mem>>) src(%dma_wait3A_475 : memref<1000000xf32, #tpu.memory_space<hbm>>) dst(%dma_wait3A_469 : memref<128xf32, #tpu.memory_space<vmem>>)
      %dma_wait3A_476 = arith.constant 0 : i32
      %dma_wait3A_477 = arith.constant 896 : i32
      %dma_wait3A_478 = tpu.memref_slice %arg15[%dma_wait3A_477] : memref<1024xf32, #tpu.memory_space<vmem>> -> memref<128xf32, #tpu.memory_space<vmem>>
      %dma_wait3A_479 = tpu.memref_slice %arg12[%add3A_185] : memref<16384xi32, #tpu.memory_space<vmem>> -> memref<128xi32, #tpu.memory_space<vmem>>
      %dma_wait3A_480 = arith.constant 0 : i32
      %dma_wait3A_481 = tpu.memref_slice %arg6[%dma_wait3A_476, %dma_wait3A_480] : memref<1x1000000xf32, #tpu.memory_space<hbm>> -> memref<1x1000000xf32, #tpu.memory_space<hbm>>
      %dma_wait3A_482 = tpu.memref_squeeze %dma_wait3A_481 : memref<1x1000000xf32, #tpu.memory_space<hbm>> -> memref<1000000xf32, #tpu.memory_space<hbm>>
      %dma_wait3A_483 = arith.constant 0 : i32
      %dma_wait3A_484 = tpu.memref_slice %dma_wait3A_482[%dma_wait3A_483] : memref<1000000xf32, #tpu.memory_space<hbm>> -> memref<1000000xf32, #tpu.memory_space<hbm>>
      tpu.wait_indirect_dma semaphore(%arg26 : memref<!tpu.dma_semaphore, #tpu.memory_space<semaphore_mem>>) src(%dma_wait3A_484 : memref<1000000xf32, #tpu.memory_space<hbm>>) dst(%dma_wait3A_478 : memref<128xf32, #tpu.memory_space<vmem>>)
      %dma_wait3A_485 = arith.constant 0 : i32
      %dma_wait3A_486 = arith.constant 896 : i32
      %dma_wait3A_487 = tpu.memref_slice %arg16[%dma_wait3A_486] : memref<1024xf32, #tpu.memory_space<vmem>> -> memref<128xf32, #tpu.memory_space<vmem>>
      %dma_wait3A_488 = tpu.memref_slice %arg12[%add3A_185] : memref<16384xi32, #tpu.memory_space<vmem>> -> memref<128xi32, #tpu.memory_space<vmem>>
      %dma_wait3A_489 = arith.constant 0 : i32
      %dma_wait3A_490 = tpu.memref_slice %arg7[%dma_wait3A_485, %dma_wait3A_489] : memref<1x1000000xf32, #tpu.memory_space<hbm>> -> memref<1x1000000xf32, #tpu.memory_space<hbm>>
      %dma_wait3A_491 = tpu.memref_squeeze %dma_wait3A_490 : memref<1x1000000xf32, #tpu.memory_space<hbm>> -> memref<1000000xf32, #tpu.memory_space<hbm>>
      %dma_wait3A_492 = arith.constant 0 : i32
      %dma_wait3A_493 = tpu.memref_slice %dma_wait3A_491[%dma_wait3A_492] : memref<1000000xf32, #tpu.memory_space<hbm>> -> memref<1000000xf32, #tpu.memory_space<hbm>>
      tpu.wait_indirect_dma semaphore(%arg26 : memref<!tpu.dma_semaphore, #tpu.memory_space<semaphore_mem>>) src(%dma_wait3A_493 : memref<1000000xf32, #tpu.memory_space<hbm>>) dst(%dma_wait3A_487 : memref<128xf32, #tpu.memory_space<vmem>>)
      %dma_wait3A_494 = tpu.memref_slice %arg3[%mul3A_10] : memref<16384xf32, #tpu.memory_space<hbm>> -> memref<1024xf32, #tpu.memory_space<hbm>>
      %dma_wait3A_495 = tpu.memref_slice %arg3[%mul3A_10] : memref<16384xf32, #tpu.memory_space<hbm>> -> memref<1024xf32, #tpu.memory_space<hbm>>
      tpu.wait_dma2 semaphore(%arg27 : memref<!tpu.dma_semaphore, #tpu.memory_space<semaphore_mem>>) src(%dma_wait3A_495 : memref<1024xf32, #tpu.memory_space<hbm>>) dst(%arg19 : memref<1024xf32, #tpu.memory_space<vmem>>)
      %dma_wait3A_496 = tpu.memref_slice %arg4[%mul3A_10] : memref<16384xf32, #tpu.memory_space<hbm>> -> memref<1024xf32, #tpu.memory_space<hbm>>
      %dma_wait3A_497 = tpu.memref_slice %arg4[%mul3A_10] : memref<16384xf32, #tpu.memory_space<hbm>> -> memref<1024xf32, #tpu.memory_space<hbm>>
      tpu.wait_dma2 semaphore(%arg27 : memref<!tpu.dma_semaphore, #tpu.memory_space<semaphore_mem>>) src(%dma_wait3A_497 : memref<1024xf32, #tpu.memory_space<hbm>>) dst(%arg20 : memref<1024xf32, #tpu.memory_space<vmem>>)
      %dma_wait3A_498 = tpu.memref_slice %arg5[%mul3A_10] : memref<16384xi32, #tpu.memory_space<hbm>> -> memref<1024xi32, #tpu.memory_space<hbm>>
      %dma_wait3A_499 = tpu.memref_slice %arg5[%mul3A_10] : memref<16384xi32, #tpu.memory_space<hbm>> -> memref<1024xi32, #tpu.memory_space<hbm>>
      tpu.wait_dma2 semaphore(%arg27 : memref<!tpu.dma_semaphore, #tpu.memory_space<semaphore_mem>>) src(%dma_wait3A_499 : memref<1024xi32, #tpu.memory_space<hbm>>) dst(%arg21 : memref<1024xi32, #tpu.memory_space<vmem>>)
      tpu.wait_dma2 semaphore(%arg27 : memref<!tpu.dma_semaphore, #tpu.memory_space<semaphore_mem>>) src(%arg8 : memref<48xf32, #tpu.memory_space<hbm>>) dst(%arg22 : memref<48xf32, #tpu.memory_space<vmem>>)
      %dma_wait3A_500 = arith.constant 0 : i32
      %dma_wait3A_501 = tpu.memref_slice %arg17[%dma_wait3A_500] : memref<1024xf32, #tpu.memory_space<vmem>> -> memref<128xf32, #tpu.memory_space<vmem>>
      %dma_wait3A_502 = arith.constant 0 : i32
      %dma_wait3A_503 = tpu.memref_slice %arg14[%dma_wait3A_502] : memref<1024xi32, #tpu.memory_space<vmem>> -> memref<128xi32, #tpu.memory_space<vmem>>
      %dma_wait3A_504 = arith.constant 0 : i32
      %dma_wait3A_505 = tpu.memref_slice %arg3[%dma_wait3A_504] : memref<16384xf32, #tpu.memory_space<hbm>> -> memref<16384xf32, #tpu.memory_space<hbm>>
      tpu.wait_indirect_dma semaphore(%arg28 : memref<!tpu.dma_semaphore, #tpu.memory_space<semaphore_mem>>) src(%dma_wait3A_505 : memref<16384xf32, #tpu.memory_space<hbm>>) dst(%dma_wait3A_501 : memref<128xf32, #tpu.memory_space<vmem>>)
      %dma_wait3A_506 = arith.constant 0 : i32
      %dma_wait3A_507 = tpu.memref_slice %arg18[%dma_wait3A_506] : memref<1024xf32, #tpu.memory_space<vmem>> -> memref<128xf32, #tpu.memory_space<vmem>>
      %dma_wait3A_508 = arith.constant 0 : i32
      %dma_wait3A_509 = tpu.memref_slice %arg14[%dma_wait3A_508] : memref<1024xi32, #tpu.memory_space<vmem>> -> memref<128xi32, #tpu.memory_space<vmem>>
      %dma_wait3A_510 = arith.constant 0 : i32
      %dma_wait3A_511 = tpu.memref_slice %arg4[%dma_wait3A_510] : memref<16384xf32, #tpu.memory_space<hbm>> -> memref<16384xf32, #tpu.memory_space<hbm>>
      tpu.wait_indirect_dma semaphore(%arg28 : memref<!tpu.dma_semaphore, #tpu.memory_space<semaphore_mem>>) src(%dma_wait3A_511 : memref<16384xf32, #tpu.memory_space<hbm>>) dst(%dma_wait3A_507 : memref<128xf32, #tpu.memory_space<vmem>>)
      %dma_wait3A_512 = arith.constant 128 : i32
      %dma_wait3A_513 = tpu.memref_slice %arg17[%dma_wait3A_512] : memref<1024xf32, #tpu.memory_space<vmem>> -> memref<128xf32, #tpu.memory_space<vmem>>
      %dma_wait3A_514 = arith.constant 128 : i32
      %dma_wait3A_515 = tpu.memref_slice %arg14[%dma_wait3A_514] : memref<1024xi32, #tpu.memory_space<vmem>> -> memref<128xi32, #tpu.memory_space<vmem>>
      %dma_wait3A_516 = arith.constant 0 : i32
      %dma_wait3A_517 = tpu.memref_slice %arg3[%dma_wait3A_516] : memref<16384xf32, #tpu.memory_space<hbm>> -> memref<16384xf32, #tpu.memory_space<hbm>>
      tpu.wait_indirect_dma semaphore(%arg28 : memref<!tpu.dma_semaphore, #tpu.memory_space<semaphore_mem>>) src(%dma_wait3A_517 : memref<16384xf32, #tpu.memory_space<hbm>>) dst(%dma_wait3A_513 : memref<128xf32, #tpu.memory_space<vmem>>)
      %dma_wait3A_518 = arith.constant 128 : i32
      %dma_wait3A_519 = tpu.memref_slice %arg18[%dma_wait3A_518] : memref<1024xf32, #tpu.memory_space<vmem>> -> memref<128xf32, #tpu.memory_space<vmem>>
      %dma_wait3A_520 = arith.constant 128 : i32
      %dma_wait3A_521 = tpu.memref_slice %arg14[%dma_wait3A_520] : memref<1024xi32, #tpu.memory_space<vmem>> -> memref<128xi32, #tpu.memory_space<vmem>>
      %dma_wait3A_522 = arith.constant 0 : i32
      %dma_wait3A_523 = tpu.memref_slice %arg4[%dma_wait3A_522] : memref<16384xf32, #tpu.memory_space<hbm>> -> memref<16384xf32, #tpu.memory_space<hbm>>
      tpu.wait_indirect_dma semaphore(%arg28 : memref<!tpu.dma_semaphore, #tpu.memory_space<semaphore_mem>>) src(%dma_wait3A_523 : memref<16384xf32, #tpu.memory_space<hbm>>) dst(%dma_wait3A_519 : memref<128xf32, #tpu.memory_space<vmem>>)
      %dma_wait3A_524 = arith.constant 256 : i32
      %dma_wait3A_525 = tpu.memref_slice %arg17[%dma_wait3A_524] : memref<1024xf32, #tpu.memory_space<vmem>> -> memref<128xf32, #tpu.memory_space<vmem>>
      %dma_wait3A_526 = arith.constant 256 : i32
      %dma_wait3A_527 = tpu.memref_slice %arg14[%dma_wait3A_526] : memref<1024xi32, #tpu.memory_space<vmem>> -> memref<128xi32, #tpu.memory_space<vmem>>
      %dma_wait3A_528 = arith.constant 0 : i32
      %dma_wait3A_529 = tpu.memref_slice %arg3[%dma_wait3A_528] : memref<16384xf32, #tpu.memory_space<hbm>> -> memref<16384xf32, #tpu.memory_space<hbm>>
      tpu.wait_indirect_dma semaphore(%arg28 : memref<!tpu.dma_semaphore, #tpu.memory_space<semaphore_mem>>) src(%dma_wait3A_529 : memref<16384xf32, #tpu.memory_space<hbm>>) dst(%dma_wait3A_525 : memref<128xf32, #tpu.memory_space<vmem>>)
      %dma_wait3A_530 = arith.constant 256 : i32
      %dma_wait3A_531 = tpu.memref_slice %arg18[%dma_wait3A_530] : memref<1024xf32, #tpu.memory_space<vmem>> -> memref<128xf32, #tpu.memory_space<vmem>>
      %dma_wait3A_532 = arith.constant 256 : i32
      %dma_wait3A_533 = tpu.memref_slice %arg14[%dma_wait3A_532] : memref<1024xi32, #tpu.memory_space<vmem>> -> memref<128xi32, #tpu.memory_space<vmem>>
      %dma_wait3A_534 = arith.constant 0 : i32
      %dma_wait3A_535 = tpu.memref_slice %arg4[%dma_wait3A_534] : memref<16384xf32, #tpu.memory_space<hbm>> -> memref<16384xf32, #tpu.memory_space<hbm>>
      tpu.wait_indirect_dma semaphore(%arg28 : memref<!tpu.dma_semaphore, #tpu.memory_space<semaphore_mem>>) src(%dma_wait3A_535 : memref<16384xf32, #tpu.memory_space<hbm>>) dst(%dma_wait3A_531 : memref<128xf32, #tpu.memory_space<vmem>>)
      %dma_wait3A_536 = arith.constant 384 : i32
      %dma_wait3A_537 = tpu.memref_slice %arg17[%dma_wait3A_536] : memref<1024xf32, #tpu.memory_space<vmem>> -> memref<128xf32, #tpu.memory_space<vmem>>
      %dma_wait3A_538 = arith.constant 384 : i32
      %dma_wait3A_539 = tpu.memref_slice %arg14[%dma_wait3A_538] : memref<1024xi32, #tpu.memory_space<vmem>> -> memref<128xi32, #tpu.memory_space<vmem>>
      %dma_wait3A_540 = arith.constant 0 : i32
      %dma_wait3A_541 = tpu.memref_slice %arg3[%dma_wait3A_540] : memref<16384xf32, #tpu.memory_space<hbm>> -> memref<16384xf32, #tpu.memory_space<hbm>>
      tpu.wait_indirect_dma semaphore(%arg28 : memref<!tpu.dma_semaphore, #tpu.memory_space<semaphore_mem>>) src(%dma_wait3A_541 : memref<16384xf32, #tpu.memory_space<hbm>>) dst(%dma_wait3A_537 : memref<128xf32, #tpu.memory_space<vmem>>)
      %dma_wait3A_542 = arith.constant 384 : i32
      %dma_wait3A_543 = tpu.memref_slice %arg18[%dma_wait3A_542] : memref<1024xf32, #tpu.memory_space<vmem>> -> memref<128xf32, #tpu.memory_space<vmem>>
      %dma_wait3A_544 = arith.constant 384 : i32
      %dma_wait3A_545 = tpu.memref_slice %arg14[%dma_wait3A_544] : memref<1024xi32, #tpu.memory_space<vmem>> -> memref<128xi32, #tpu.memory_space<vmem>>
      %dma_wait3A_546 = arith.constant 0 : i32
      %dma_wait3A_547 = tpu.memref_slice %arg4[%dma_wait3A_546] : memref<16384xf32, #tpu.memory_space<hbm>> -> memref<16384xf32, #tpu.memory_space<hbm>>
      tpu.wait_indirect_dma semaphore(%arg28 : memref<!tpu.dma_semaphore, #tpu.memory_space<semaphore_mem>>) src(%dma_wait3A_547 : memref<16384xf32, #tpu.memory_space<hbm>>) dst(%dma_wait3A_543 : memref<128xf32, #tpu.memory_space<vmem>>)
      %dma_wait3A_548 = arith.constant 512 : i32
      %dma_wait3A_549 = tpu.memref_slice %arg17[%dma_wait3A_548] : memref<1024xf32, #tpu.memory_space<vmem>> -> memref<128xf32, #tpu.memory_space<vmem>>
      %dma_wait3A_550 = arith.constant 512 : i32
      %dma_wait3A_551 = tpu.memref_slice %arg14[%dma_wait3A_550] : memref<1024xi32, #tpu.memory_space<vmem>> -> memref<128xi32, #tpu.memory_space<vmem>>
      %dma_wait3A_552 = arith.constant 0 : i32
      %dma_wait3A_553 = tpu.memref_slice %arg3[%dma_wait3A_552] : memref<16384xf32, #tpu.memory_space<hbm>> -> memref<16384xf32, #tpu.memory_space<hbm>>
      tpu.wait_indirect_dma semaphore(%arg28 : memref<!tpu.dma_semaphore, #tpu.memory_space<semaphore_mem>>) src(%dma_wait3A_553 : memref<16384xf32, #tpu.memory_space<hbm>>) dst(%dma_wait3A_549 : memref<128xf32, #tpu.memory_space<vmem>>)
      %dma_wait3A_554 = arith.constant 512 : i32
      %dma_wait3A_555 = tpu.memref_slice %arg18[%dma_wait3A_554] : memref<1024xf32, #tpu.memory_space<vmem>> -> memref<128xf32, #tpu.memory_space<vmem>>
      %dma_wait3A_556 = arith.constant 512 : i32
      %dma_wait3A_557 = tpu.memref_slice %arg14[%dma_wait3A_556] : memref<1024xi32, #tpu.memory_space<vmem>> -> memref<128xi32, #tpu.memory_space<vmem>>
      %dma_wait3A_558 = arith.constant 0 : i32
      %dma_wait3A_559 = tpu.memref_slice %arg4[%dma_wait3A_558] : memref<16384xf32, #tpu.memory_space<hbm>> -> memref<16384xf32, #tpu.memory_space<hbm>>
      tpu.wait_indirect_dma semaphore(%arg28 : memref<!tpu.dma_semaphore, #tpu.memory_space<semaphore_mem>>) src(%dma_wait3A_559 : memref<16384xf32, #tpu.memory_space<hbm>>) dst(%dma_wait3A_555 : memref<128xf32, #tpu.memory_space<vmem>>)
      %dma_wait3A_560 = arith.constant 640 : i32
      %dma_wait3A_561 = tpu.memref_slice %arg17[%dma_wait3A_560] : memref<1024xf32, #tpu.memory_space<vmem>> -> memref<128xf32, #tpu.memory_space<vmem>>
      %dma_wait3A_562 = arith.constant 640 : i32
      %dma_wait3A_563 = tpu.memref_slice %arg14[%dma_wait3A_562] : memref<1024xi32, #tpu.memory_space<vmem>> -> memref<128xi32, #tpu.memory_space<vmem>>
      %dma_wait3A_564 = arith.constant 0 : i32
      %dma_wait3A_565 = tpu.memref_slice %arg3[%dma_wait3A_564] : memref<16384xf32, #tpu.memory_space<hbm>> -> memref<16384xf32, #tpu.memory_space<hbm>>
      tpu.wait_indirect_dma semaphore(%arg28 : memref<!tpu.dma_semaphore, #tpu.memory_space<semaphore_mem>>) src(%dma_wait3A_565 : memref<16384xf32, #tpu.memory_space<hbm>>) dst(%dma_wait3A_561 : memref<128xf32, #tpu.memory_space<vmem>>)
      %dma_wait3A_566 = arith.constant 640 : i32
      %dma_wait3A_567 = tpu.memref_slice %arg18[%dma_wait3A_566] : memref<1024xf32, #tpu.memory_space<vmem>> -> memref<128xf32, #tpu.memory_space<vmem>>
      %dma_wait3A_568 = arith.constant 640 : i32
      %dma_wait3A_569 = tpu.memref_slice %arg14[%dma_wait3A_568] : memref<1024xi32, #tpu.memory_space<vmem>> -> memref<128xi32, #tpu.memory_space<vmem>>
      %dma_wait3A_570 = arith.constant 0 : i32
      %dma_wait3A_571 = tpu.memref_slice %arg4[%dma_wait3A_570] : memref<16384xf32, #tpu.memory_space<hbm>> -> memref<16384xf32, #tpu.memory_space<hbm>>
      tpu.wait_indirect_dma semaphore(%arg28 : memref<!tpu.dma_semaphore, #tpu.memory_space<semaphore_mem>>) src(%dma_wait3A_571 : memref<16384xf32, #tpu.memory_space<hbm>>) dst(%dma_wait3A_567 : memref<128xf32, #tpu.memory_space<vmem>>)
      %dma_wait3A_572 = arith.constant 768 : i32
      %dma_wait3A_573 = tpu.memref_slice %arg17[%dma_wait3A_572] : memref<1024xf32, #tpu.memory_space<vmem>> -> memref<128xf32, #tpu.memory_space<vmem>>
      %dma_wait3A_574 = arith.constant 768 : i32
      %dma_wait3A_575 = tpu.memref_slice %arg14[%dma_wait3A_574] : memref<1024xi32, #tpu.memory_space<vmem>> -> memref<128xi32, #tpu.memory_space<vmem>>
      %dma_wait3A_576 = arith.constant 0 : i32
      %dma_wait3A_577 = tpu.memref_slice %arg3[%dma_wait3A_576] : memref<16384xf32, #tpu.memory_space<hbm>> -> memref<16384xf32, #tpu.memory_space<hbm>>
      tpu.wait_indirect_dma semaphore(%arg28 : memref<!tpu.dma_semaphore, #tpu.memory_space<semaphore_mem>>) src(%dma_wait3A_577 : memref<16384xf32, #tpu.memory_space<hbm>>) dst(%dma_wait3A_573 : memref<128xf32, #tpu.memory_space<vmem>>)
      %dma_wait3A_578 = arith.constant 768 : i32
      %dma_wait3A_579 = tpu.memref_slice %arg18[%dma_wait3A_578] : memref<1024xf32, #tpu.memory_space<vmem>> -> memref<128xf32, #tpu.memory_space<vmem>>
      %dma_wait3A_580 = arith.constant 768 : i32
      %dma_wait3A_581 = tpu.memref_slice %arg14[%dma_wait3A_580] : memref<1024xi32, #tpu.memory_space<vmem>> -> memref<128xi32, #tpu.memory_space<vmem>>
      %dma_wait3A_582 = arith.constant 0 : i32
      %dma_wait3A_583 = tpu.memref_slice %arg4[%dma_wait3A_582] : memref<16384xf32, #tpu.memory_space<hbm>> -> memref<16384xf32, #tpu.memory_space<hbm>>
      tpu.wait_indirect_dma semaphore(%arg28 : memref<!tpu.dma_semaphore, #tpu.memory_space<semaphore_mem>>) src(%dma_wait3A_583 : memref<16384xf32, #tpu.memory_space<hbm>>) dst(%dma_wait3A_579 : memref<128xf32, #tpu.memory_space<vmem>>)
      %dma_wait3A_584 = arith.constant 896 : i32
      %dma_wait3A_585 = tpu.memref_slice %arg17[%dma_wait3A_584] : memref<1024xf32, #tpu.memory_space<vmem>> -> memref<128xf32, #tpu.memory_space<vmem>>
      %dma_wait3A_586 = arith.constant 896 : i32
      %dma_wait3A_587 = tpu.memref_slice %arg14[%dma_wait3A_586] : memref<1024xi32, #tpu.memory_space<vmem>> -> memref<128xi32, #tpu.memory_space<vmem>>
      %dma_wait3A_588 = arith.constant 0 : i32
      %dma_wait3A_589 = tpu.memref_slice %arg3[%dma_wait3A_588] : memref<16384xf32, #tpu.memory_space<hbm>> -> memref<16384xf32, #tpu.memory_space<hbm>>
      tpu.wait_indirect_dma semaphore(%arg28 : memref<!tpu.dma_semaphore, #tpu.memory_space<semaphore_mem>>) src(%dma_wait3A_589 : memref<16384xf32, #tpu.memory_space<hbm>>) dst(%dma_wait3A_585 : memref<128xf32, #tpu.memory_space<vmem>>)
      %dma_wait3A_590 = arith.constant 896 : i32
      %dma_wait3A_591 = tpu.memref_slice %arg18[%dma_wait3A_590] : memref<1024xf32, #tpu.memory_space<vmem>> -> memref<128xf32, #tpu.memory_space<vmem>>
      %dma_wait3A_592 = arith.constant 896 : i32
      %dma_wait3A_593 = tpu.memref_slice %arg14[%dma_wait3A_592] : memref<1024xi32, #tpu.memory_space<vmem>> -> memref<128xi32, #tpu.memory_space<vmem>>
      %dma_wait3A_594 = arith.constant 0 : i32
      %dma_wait3A_595 = tpu.memref_slice %arg4[%dma_wait3A_594] : memref<16384xf32, #tpu.memory_space<hbm>> -> memref<16384xf32, #tpu.memory_space<hbm>>
      tpu.wait_indirect_dma semaphore(%arg28 : memref<!tpu.dma_semaphore, #tpu.memory_space<semaphore_mem>>) src(%dma_wait3A_595 : memref<16384xf32, #tpu.memory_space<hbm>>) dst(%dma_wait3A_591 : memref<128xf32, #tpu.memory_space<vmem>>)
      %get3A = arith.constant 0 : index
      %get3A_596 = tpu.vector_load %arg22[%get3A] {strides = array<i32>} : memref<48xf32, #tpu.memory_space<vmem>>, vector<16xf32>,
      %get3A_597 = arith.constant 16 : index
      %get3A_598 = tpu.vector_load %arg22[%get3A_597] {strides = array<i32>} : memref<48xf32, #tpu.memory_space<vmem>>, vector<16xf32>,
      %broadcast_in_dim3A_599 = arith.constant 0.000000e+00 : f32
      %broadcast_in_dim3A_600 = vector.broadcast %broadcast_in_dim3A_599 : f32 to vector<16xf32>
      %scan3A_601 = arith.constant 0 : i32
      %scan3A_602 = arith.constant 64 : i32
      %scan3A_603 = arith.addi %scan3A_601, %scan3A_602 : i32
      %scan3A_604 = arith.constant 1 : i32
      %scan3A_605:8 = scf.for %scan3A_711 = %scan3A_601 to %scan3A_603 step %scan3A_604 iter_args(%scan3A_712 = %broadcast_in_dim3A_600, %scan3A_713 = %broadcast_in_dim3A_600, %scan3A_714 = %broadcast_in_dim3A_600, %scan3A_715 = %broadcast_in_dim3A_600, %scan3A_716 = %broadcast_in_dim3A_600, %scan3A_717 = %broadcast_in_dim3A_600, %scan3A_718 = %broadcast_in_dim3A_600, %scan3A_719 = %broadcast_in_dim3A_600) -> (vector<16xf32>, vector<16xf32>, vector<16xf32>, vector<16xf32>, vector<16xf32>, vector<16xf32>, vector<16xf32>, vector<16xf32>)  : i32 {
        %mul3A_720 = arith.constant 16 : i32
        %mul3A_721 = arith.muli %scan3A_711, %mul3A_720 : i32
        %get3A_722 = arith.index_cast %mul3A_721 : i32 to index
        %get3A_723 = tpu.vector_load %arg15[%get3A_722] {strides = array<i32>} : memref<1024xf32, #tpu.memory_space<vmem>>, vector<16xf32>,
        %get3A_724 = arith.index_cast %mul3A_721 : i32 to index
        %get3A_725 = tpu.vector_load %arg16[%get3A_724] {strides = array<i32>} : memref<1024xf32, #tpu.memory_space<vmem>>, vector<16xf32>,
        %get3A_726 = arith.index_cast %mul3A_721 : i32 to index
        %get3A_727 = tpu.vector_load %arg17[%get3A_726] {strides = array<i32>} : memref<1024xf32, #tpu.memory_space<vmem>>, vector<16xf32>,
        %get3A_728 = arith.index_cast %mul3A_721 : i32 to index
        %get3A_729 = tpu.vector_load %arg18[%get3A_728] {strides = array<i32>} : memref<1024xf32, #tpu.memory_space<vmem>>, vector<16xf32>,
        %get3A_730 = arith.index_cast %mul3A_721 : i32 to index
        %get3A_731 = tpu.vector_load %arg19[%get3A_730] {strides = array<i32>} : memref<1024xf32, #tpu.memory_space<vmem>>, vector<16xf32>,
        %get3A_732 = arith.index_cast %mul3A_721 : i32 to index
        %get3A_733 = tpu.vector_load %arg20[%get3A_732] {strides = array<i32>} : memref<1024xf32, #tpu.memory_space<vmem>>, vector<16xf32>,
        %get3A_734 = arith.index_cast %mul3A_721 : i32 to index
        %get3A_735 = tpu.vector_load %arg21[%get3A_734] {strides = array<i32>} : memref<1024xi32, #tpu.memory_space<vmem>>, vector<16xi32>,
        %mul3A_736 = arith.constant 1.000000e-01 : f32
        %mul3A_737 = vector.broadcast %mul3A_736 : f32 to vector<16xf32>
        %mul3A_738 = arith.mulf %mul3A_737, %get3A_723 : vector<16xf32>
        %mul3A_739 = arith.constant 0.899999976 : f32
        %mul3A_740 = vector.broadcast %mul3A_739 : f32 to vector<16xf32>
        %mul3A_741 = arith.mulf %mul3A_740, %get3A_727 : vector<16xf32>
        %add3A_742 = arith.addf %mul3A_738, %mul3A_741 : vector<16xf32>
        %mul3A_743 = arith.constant 1.000000e-01 : f32
        %mul3A_744 = vector.broadcast %mul3A_743 : f32 to vector<16xf32>
        %mul3A_745 = arith.mulf %mul3A_744, %get3A_725 : vector<16xf32>
        %mul3A_746 = arith.constant 0.899999976 : f32
        %mul3A_747 = vector.broadcast %mul3A_746 : f32 to vector<16xf32>
        %mul3A_748 = arith.mulf %mul3A_747, %get3A_729 : vector<16xf32>
        %add3A_749 = arith.addf %mul3A_745, %mul3A_748 : vector<16xf32>
        %max3A = arith.constant 9.99999993E-9 : f32
        %max3A_750 = vector.broadcast %max3A : f32 to vector<16xf32>
        %max3A_751 = arith.maximumf %add3A_749, %max3A_750 : vector<16xf32>
        %div3A = arith.constant 1.000000e+00 : f32
        %div3A_752 = vector.broadcast %div3A : f32 to vector<16xf32>
        %div3A_753 = arith.divf %div3A_752, %max3A_751 : vector<16xf32>
        %mul3A_754 = arith.mulf %add3A_742, %div3A_753 : vector<16xf32>
        %neg3A = arith.constant 0.000000e+00 : f32
        %neg3A_755 = vector.broadcast %neg3A : f32 to vector<16xf32>
        %neg3A_756 = arith.subf %neg3A_755, %mul3A_754 : vector<16xf32>
        %exp3A = math.exp %neg3A_756 : vector<16xf32>
        %add3A_757 = arith.constant 1.000000e+00 : f32
        %add3A_758 = vector.broadcast %add3A_757 : f32 to vector<16xf32>
        %add3A_759 = arith.addf %add3A_758, %exp3A : vector<16xf32>
        %div3A_760 = arith.constant 1.000000e+00 : f32
        %div3A_761 = vector.broadcast %div3A_760 : f32 to vector<16xf32>
        %div3A_762 = arith.divf %div3A_761, %add3A_759 : vector<16xf32>
        %sub3A = arith.constant 1.000000e+00 : f32
        %sub3A_763 = vector.broadcast %sub3A : f32 to vector<16xf32>
        %sub3A_764 = arith.subf %sub3A_763, %div3A_762 : vector<16xf32>
        %mul3A_765 = arith.mulf %div3A_762, %sub3A_764 : vector<16xf32>
        %mul3A_766 = arith.mulf %div3A_753, %get3A_731 : vector<16xf32>
        %mul3A_767 = arith.mulf %add3A_742, %div3A_753 : vector<16xf32>
        %mul3A_768 = arith.mulf %mul3A_767, %div3A_753 : vector<16xf32>
        %mul3A_769 = arith.mulf %mul3A_768, %get3A_733 : vector<16xf32>
        %sub3A_770 = arith.subf %mul3A_766, %mul3A_769 : vector<16xf32>
        %mul3A_771 = arith.mulf %mul3A_765, %sub3A_770 : vector<16xf32>
        %eq3A_772 = arith.constant 1 : i32
        %eq3A_773 = vector.broadcast %eq3A_772 : i32 to vector<16xi32>
        %eq3A_774 = arith.cmpi eq, %get3A_735, %eq3A_773 : vector<16xi32>
        %convert_element_type3A_775 = arith.extui %eq3A_774 : vector<16xi1> to vector<16xi32>
        %convert_element_type3A_776 = arith.sitofp %convert_element_type3A_775 : vector<16xi32> to vector<16xf32>
        %eq3A_777 = arith.constant 0 : i32
        %eq3A_778 = vector.broadcast %eq3A_777 : i32 to vector<16xi32>
        %eq3A_779 = arith.cmpi eq, %get3A_735, %eq3A_778 : vector<16xi32>
        %convert_element_type3A_780 = arith.extui %eq3A_779 : vector<16xi1> to vector<16xi32>
        %convert_element_type3A_781 = arith.sitofp %convert_element_type3A_780 : vector<16xi32> to vector<16xf32>
        %sub3A_782 = arith.subf %div3A_762, %get3A_596 : vector<16xf32>
        %sub3A_783 = arith.subf %div3A_762, %get3A_598 : vector<16xf32>
        %add3A_784 = arith.addf %scan3A_712, %convert_element_type3A_776 : vector<16xf32>
        %add3A_785 = arith.addf %scan3A_713, %convert_element_type3A_781 : vector<16xf32>
        %mul3A_786 = arith.constant 2.000000e+00 : f32
        %mul3A_787 = vector.broadcast %mul3A_786 : f32 to vector<16xf32>
        %mul3A_788 = arith.mulf %mul3A_787, %sub3A_782 : vector<16xf32>
        %mul3A_789 = arith.mulf %mul3A_788, %mul3A_771 : vector<16xf32>
        %mul3A_790 = arith.mulf %convert_element_type3A_776, %mul3A_789 : vector<16xf32>
        %add3A_791 = arith.addf %scan3A_714, %mul3A_790 : vector<16xf32>
        %mul3A_792 = arith.constant 2.000000e+00 : f32
        %mul3A_793 = vector.broadcast %mul3A_792 : f32 to vector<16xf32>
        %mul3A_794 = arith.mulf %mul3A_793, %sub3A_783 : vector<16xf32>
        %mul3A_795 = arith.mulf %mul3A_794, %mul3A_771 : vector<16xf32>
        %mul3A_796 = arith.mulf %convert_element_type3A_781, %mul3A_795 : vector<16xf32>
        %add3A_797 = arith.addf %scan3A_715, %mul3A_796 : vector<16xf32>
        %mul3A_798 = arith.mulf %convert_element_type3A_781, %mul3A_771 : vector<16xf32>
        %add3A_799 = arith.addf %scan3A_716, %mul3A_798 : vector<16xf32>
        %mul3A_800 = arith.mulf %convert_element_type3A_776, %mul3A_771 : vector<16xf32>
        %add3A_801 = arith.addf %scan3A_717, %mul3A_800 : vector<16xf32>
        %mul3A_802 = arith.mulf %convert_element_type3A_776, %sub3A_782 : vector<16xf32>
        %mul3A_803 = arith.mulf %mul3A_802, %sub3A_782 : vector<16xf32>
        %add3A_804 = arith.addf %scan3A_718, %mul3A_803 : vector<16xf32>
        %mul3A_805 = arith.mulf %convert_element_type3A_781, %sub3A_783 : vector<16xf32>
        %mul3A_806 = arith.mulf %mul3A_805, %sub3A_783 : vector<16xf32>
        %add3A_807 = arith.addf %scan3A_719, %mul3A_806 : vector<16xf32>
        scf.yield %add3A_784, %add3A_785, %add3A_791, %add3A_797, %add3A_799, %add3A_801, %add3A_804, %add3A_807 : vector<16xf32>, vector<16xf32>, vector<16xf32>, vector<16xf32>, vector<16xf32>, vector<16xf32>, vector<16xf32>, vector<16xf32>
      }
      %scan3A_606 = arith.constant 64 : i32
      %broadcast_in_dim3A_607 = arith.constant 0.000000e+00 : f32
      %broadcast_in_dim3A_608 = vector.broadcast %broadcast_in_dim3A_607 : f32 to vector<16xf32>
      %eq3A_609 = arith.constant 0 : i32
      %eq3A_610 = vector.broadcast %eq3A_609 : i32 to vector<16xi32>
      %eq3A_611 = arith.cmpi eq, %iota3A, %eq3A_610 : vector<16xi32>
      %reduce_sum3A = arith.constant true
      %reduce_sum3A_612 = vector.broadcast %reduce_sum3A : i1 to vector<16xi1>
      %reduce_sum3A_613 = tpu.scan <sum>, %scan3A_605#0 masked %reduce_sum3A_612 : vector<16xf32>, vector<16xi1> -> vector<16xf32>
      %reduce_sum3A_614 = vector.extract %reduce_sum3A_613[15] : f32 from vector<16xf32>
      %jit3A = arith.constant 0.000000e+00 : f32
      %broadcast_in_dim3A_615 = vector.broadcast %reduce_sum3A_614 : f32 to vector<16xf32>
      %broadcast_in_dim3A_616 = vector.broadcast %jit3A : f32 to vector<16xf32>
      %select_n3A = arith.select %eq3A_611, %broadcast_in_dim3A_615, %broadcast_in_dim3A_616 : vector<16xi1>, vector<16xf32>
      %add3A_617 = arith.addf %broadcast_in_dim3A_608, %select_n3A : vector<16xf32>
      %eq3A_618 = arith.constant 1 : i32
      %eq3A_619 = vector.broadcast %eq3A_618 : i32 to vector<16xi32>
      %eq3A_620 = arith.cmpi eq, %iota3A, %eq3A_619 : vector<16xi32>
      %reduce_sum3A_621 = arith.constant true
      %reduce_sum3A_622 = vector.broadcast %reduce_sum3A_621 : i1 to vector<16xi1>
      %reduce_sum3A_623 = tpu.scan <sum>, %scan3A_605#1 masked %reduce_sum3A_622 : vector<16xf32>, vector<16xi1> -> vector<16xf32>
      %reduce_sum3A_624 = vector.extract %reduce_sum3A_623[15] : f32 from vector<16xf32>
      %jit3A_625 = arith.constant 0.000000e+00 : f32
      %broadcast_in_dim3A_626 = vector.broadcast %reduce_sum3A_624 : f32 to vector<16xf32>
      %broadcast_in_dim3A_627 = vector.broadcast %jit3A_625 : f32 to vector<16xf32>
      %select_n3A_628 = arith.select %eq3A_620, %broadcast_in_dim3A_626, %broadcast_in_dim3A_627 : vector<16xi1>, vector<16xf32>
      %add3A_629 = arith.addf %add3A_617, %select_n3A_628 : vector<16xf32>
      %eq3A_630 = arith.constant 2 : i32
      %eq3A_631 = vector.broadcast %eq3A_630 : i32 to vector<16xi32>
      %eq3A_632 = arith.cmpi eq, %iota3A, %eq3A_631 : vector<16xi32>
      %reduce_sum3A_633 = arith.constant true
      %reduce_sum3A_634 = vector.broadcast %reduce_sum3A_633 : i1 to vector<16xi1>
      %reduce_sum3A_635 = tpu.scan <sum>, %scan3A_605#2 masked %reduce_sum3A_634 : vector<16xf32>, vector<16xi1> -> vector<16xf32>
      %reduce_sum3A_636 = vector.extract %reduce_sum3A_635[15] : f32 from vector<16xf32>
      %jit3A_637 = arith.constant 0.000000e+00 : f32
      %broadcast_in_dim3A_638 = vector.broadcast %reduce_sum3A_636 : f32 to vector<16xf32>
      %broadcast_in_dim3A_639 = vector.broadcast %jit3A_637 : f32 to vector<16xf32>
      %select_n3A_640 = arith.select %eq3A_632, %broadcast_in_dim3A_638, %broadcast_in_dim3A_639 : vector<16xi1>, vector<16xf32>
      %add3A_641 = arith.addf %add3A_629, %select_n3A_640 : vector<16xf32>
      %eq3A_642 = arith.constant 3 : i32
      %eq3A_643 = vector.broadcast %eq3A_642 : i32 to vector<16xi32>
      %eq3A_644 = arith.cmpi eq, %iota3A, %eq3A_643 : vector<16xi32>
      %reduce_sum3A_645 = arith.constant true
      %reduce_sum3A_646 = vector.broadcast %reduce_sum3A_645 : i1 to vector<16xi1>
      %reduce_sum3A_647 = tpu.scan <sum>, %scan3A_605#3 masked %reduce_sum3A_646 : vector<16xf32>, vector<16xi1> -> vector<16xf32>
      %reduce_sum3A_648 = vector.extract %reduce_sum3A_647[15] : f32 from vector<16xf32>
      %jit3A_649 = arith.constant 0.000000e+00 : f32
      %broadcast_in_dim3A_650 = vector.broadcast %reduce_sum3A_648 : f32 to vector<16xf32>
      %broadcast_in_dim3A_651 = vector.broadcast %jit3A_649 : f32 to vector<16xf32>
      %select_n3A_652 = arith.select %eq3A_644, %broadcast_in_dim3A_650, %broadcast_in_dim3A_651 : vector<16xi1>, vector<16xf32>
      %add3A_653 = arith.addf %add3A_641, %select_n3A_652 : vector<16xf32>
      %eq3A_654 = arith.constant 4 : i32
      %eq3A_655 = vector.broadcast %eq3A_654 : i32 to vector<16xi32>
      %eq3A_656 = arith.cmpi eq, %iota3A, %eq3A_655 : vector<16xi32>
      %reduce_sum3A_657 = arith.constant true
      %reduce_sum3A_658 = vector.broadcast %reduce_sum3A_657 : i1 to vector<16xi1>
      %reduce_sum3A_659 = tpu.scan <sum>, %scan3A_605#4 masked %reduce_sum3A_658 : vector<16xf32>, vector<16xi1> -> vector<16xf32>
      %reduce_sum3A_660 = vector.extract %reduce_sum3A_659[15] : f32 from vector<16xf32>
      %jit3A_661 = arith.constant 0.000000e+00 : f32
      %broadcast_in_dim3A_662 = vector.broadcast %reduce_sum3A_660 : f32 to vector<16xf32>
      %broadcast_in_dim3A_663 = vector.broadcast %jit3A_661 : f32 to vector<16xf32>
      %select_n3A_664 = arith.select %eq3A_656, %broadcast_in_dim3A_662, %broadcast_in_dim3A_663 : vector<16xi1>, vector<16xf32>
      %add3A_665 = arith.addf %add3A_653, %select_n3A_664 : vector<16xf32>
      %eq3A_666 = arith.constant 5 : i32
      %eq3A_667 = vector.broadcast %eq3A_666 : i32 to vector<16xi32>
      %eq3A_668 = arith.cmpi eq, %iota3A, %eq3A_667 : vector<16xi32>
      %reduce_sum3A_669 = arith.constant true
      %reduce_sum3A_670 = vector.broadcast %reduce_sum3A_669 : i1 to vector<16xi1>
      %reduce_sum3A_671 = tpu.scan <sum>, %scan3A_605#5 masked %reduce_sum3A_670 : vector<16xf32>, vector<16xi1> -> vector<16xf32>
      %reduce_sum3A_672 = vector.extract %reduce_sum3A_671[15] : f32 from vector<16xf32>
      %jit3A_673 = arith.constant 0.000000e+00 : f32
      %broadcast_in_dim3A_674 = vector.broadcast %reduce_sum3A_672 : f32 to vector<16xf32>
      %broadcast_in_dim3A_675 = vector.broadcast %jit3A_673 : f32 to vector<16xf32>
      %select_n3A_676 = arith.select %eq3A_668, %broadcast_in_dim3A_674, %broadcast_in_dim3A_675 : vector<16xi1>, vector<16xf32>
      %add3A_677 = arith.addf %add3A_665, %select_n3A_676 : vector<16xf32>
      %eq3A_678 = arith.constant 6 : i32
      %eq3A_679 = vector.broadcast %eq3A_678 : i32 to vector<16xi32>
      %eq3A_680 = arith.cmpi eq, %iota3A, %eq3A_679 : vector<16xi32>
      %reduce_sum3A_681 = arith.constant true
      %reduce_sum3A_682 = vector.broadcast %reduce_sum3A_681 : i1 to vector<16xi1>
      %reduce_sum3A_683 = tpu.scan <sum>, %scan3A_605#6 masked %reduce_sum3A_682 : vector<16xf32>, vector<16xi1> -> vector<16xf32>
      %reduce_sum3A_684 = vector.extract %reduce_sum3A_683[15] : f32 from vector<16xf32>
      %jit3A_685 = arith.constant 0.000000e+00 : f32
      %broadcast_in_dim3A_686 = vector.broadcast %reduce_sum3A_684 : f32 to vector<16xf32>
      %broadcast_in_dim3A_687 = vector.broadcast %jit3A_685 : f32 to vector<16xf32>
      %select_n3A_688 = arith.select %eq3A_680, %broadcast_in_dim3A_686, %broadcast_in_dim3A_687 : vector<16xi1>, vector<16xf32>
      %add3A_689 = arith.addf %add3A_677, %select_n3A_688 : vector<16xf32>
      %eq3A_690 = arith.constant 7 : i32
      %eq3A_691 = vector.broadcast %eq3A_690 : i32 to vector<16xi32>
      %eq3A_692 = arith.cmpi eq, %iota3A, %eq3A_691 : vector<16xi32>
      %reduce_sum3A_693 = arith.constant true
      %reduce_sum3A_694 = vector.broadcast %reduce_sum3A_693 : i1 to vector<16xi1>
      %reduce_sum3A_695 = tpu.scan <sum>, %scan3A_605#7 masked %reduce_sum3A_694 : vector<16xf32>, vector<16xi1> -> vector<16xf32>
      %reduce_sum3A_696 = vector.extract %reduce_sum3A_695[15] : f32 from vector<16xf32>
      %jit3A_697 = arith.constant 0.000000e+00 : f32
      %broadcast_in_dim3A_698 = vector.broadcast %reduce_sum3A_696 : f32 to vector<16xf32>
      %broadcast_in_dim3A_699 = vector.broadcast %jit3A_697 : f32 to vector<16xf32>
      %select_n3A_700 = arith.select %eq3A_692, %broadcast_in_dim3A_698, %broadcast_in_dim3A_699 : vector<16xi1>, vector<16xf32>
      %add3A_701 = arith.addf %add3A_689, %select_n3A_700 : vector<16xf32>
      %swap3A = arith.constant 0 : index
      %swap3A_702 = tpu.vector_load %arg24[%swap3A] {strides = array<i32>} : memref<16xf32, #tpu.memory_space<vmem>>, vector<16xf32>,
      tpu.vector_store %arg24[%swap3A], %add3A_701 {strides = array<i32>} : memref<16xf32, #tpu.memory_space<vmem>>, vector<16xf32>,
      %mul3A_703 = arith.constant 16 : i32
      %mul3A_704 = arith.muli %arg1, %mul3A_703 : i32
      "tpu.region"() ({
        %run_scoped3A = tpu.sem_alloc : memref<!tpu.dma_semaphore, #tpu.memory_space<semaphore_mem>>
        %dma_start3A_711 = tpu.memref_slice %arg10[%mul3A_704] : memref<256xf32, #tpu.memory_space<hbm>> -> memref<16xf32, #tpu.memory_space<hbm>>
        %dma_start3A_712 = tpu.memref_slice %arg10[%mul3A_704] : memref<256xf32, #tpu.memory_space<hbm>> -> memref<16xf32, #tpu.memory_space<hbm>>
        tpu.enqueue_dma source(%arg24 : memref<16xf32, #tpu.memory_space<vmem>>) target(%dma_start3A_712 : memref<16xf32, #tpu.memory_space<hbm>>) target_semaphore(%run_scoped3A : memref<!tpu.dma_semaphore, #tpu.memory_space<semaphore_mem>>)
        %dma_wait3A_713 = tpu.memref_slice %arg10[%mul3A_704] : memref<256xf32, #tpu.memory_space<hbm>> -> memref<16xf32, #tpu.memory_space<hbm>>
        %dma_wait3A_714 = tpu.memref_slice %arg10[%mul3A_704] : memref<256xf32, #tpu.memory_space<hbm>> -> memref<16xf32, #tpu.memory_space<hbm>>
        tpu.wait_dma2 semaphore(%run_scoped3A : memref<!tpu.dma_semaphore, #tpu.memory_space<semaphore_mem>>) src(%arg24 : memref<16xf32, #tpu.memory_space<vmem>>) dst(%dma_wait3A_714 : memref<16xf32, #tpu.memory_space<hbm>>)
        tpu.yield
      }) : () -> ()
      %barrier3A_705 = arith.constant 0 : index
      tpu.barrier barrier_id(%barrier3A_705)
      %eq3A_706 = arith.constant 0 : i32
      %eq3A_707 = arith.cmpi eq, %arg1, %eq3A_706 : i32
      %convert_element_type3A_708 = arith.extui %eq3A_707 : i1 to i32
      %cond3A_709 = arith.constant 0 : i32
      %cond3A_710 = arith.cmpi ne, %convert_element_type3A_708, %cond3A_709 : i32
      scf.if %cond3A_710 {
        "tpu.region"() ({
          %run_scoped3A = tpu.sem_alloc : memref<!tpu.dma_semaphore, #tpu.memory_space<semaphore_mem>>
          tpu.enqueue_dma source(%arg10 : memref<256xf32, #tpu.memory_space<hbm>>) target(%arg23 : memref<256xf32, #tpu.memory_space<vmem>>) target_semaphore(%run_scoped3A : memref<!tpu.dma_semaphore, #tpu.memory_space<semaphore_mem>>)
          tpu.wait_dma2 semaphore(%run_scoped3A : memref<!tpu.dma_semaphore, #tpu.memory_space<semaphore_mem>>) src(%arg10 : memref<256xf32, #tpu.memory_space<hbm>>) dst(%arg23 : memref<256xf32, #tpu.memory_space<vmem>>)
          tpu.yield
        }) : () -> ()
        %broadcast_in_dim3A_711 = arith.constant 0.000000e+00 : f32
        %broadcast_in_dim3A_712 = vector.broadcast %broadcast_in_dim3A_711 : f32 to vector<16xf32>
        %scan3A_713 = arith.constant 0 : i32
        %scan3A_714 = arith.constant 16 : i32
        %scan3A_715 = arith.addi %scan3A_713, %scan3A_714 : i32
        %scan3A_716 = arith.constant 1 : i32
        %scan3A_717 = scf.for %scan3A_886 = %scan3A_713 to %scan3A_715 step %scan3A_716 iter_args(%scan3A_887 = %broadcast_in_dim3A_712) -> (vector<16xf32>)  : i32 {
          %mul3A_888 = arith.constant 16 : i32
          %mul3A_889 = arith.muli %scan3A_886, %mul3A_888 : i32
          %get3A_890 = arith.index_cast %mul3A_889 : i32 to index
          %get3A_891 = tpu.vector_load %arg23[%get3A_890] {strides = array<i32>} : memref<256xf32, #tpu.memory_space<vmem>>, vector<16xf32>,
          %add3A_892 = arith.addf %scan3A_887, %get3A_891 : vector<16xf32>
          scf.yield %add3A_892 : vector<16xf32>
        }
        %scan3A_718 = arith.constant 16 : i32
        %eq3A_719 = arith.constant 0 : i32
        %eq3A_720 = vector.broadcast %eq3A_719 : i32 to vector<16xi32>
        %eq3A_721 = arith.cmpi eq, %iota3A, %eq3A_720 : vector<16xi32>
        %jit3A_722 = arith.constant 0.000000e+00 : f32
        %broadcast_in_dim3A_723 = vector.broadcast %jit3A_722 : f32 to vector<16xf32>
        %select_n3A_724 = arith.select %eq3A_721, %scan3A_717, %broadcast_in_dim3A_723 : vector<16xi1>, vector<16xf32>
        %reduce_sum3A_725 = arith.constant true
        %reduce_sum3A_726 = vector.broadcast %reduce_sum3A_725 : i1 to vector<16xi1>
        %reduce_sum3A_727 = tpu.scan <sum>, %select_n3A_724 masked %reduce_sum3A_726 : vector<16xf32>, vector<16xi1> -> vector<16xf32>
        %reduce_sum3A_728 = vector.extract %reduce_sum3A_727[15] : f32 from vector<16xf32>
        %eq3A_729 = arith.constant 1 : i32
        %eq3A_730 = vector.broadcast %eq3A_729 : i32 to vector<16xi32>
        %eq3A_731 = arith.cmpi eq, %iota3A, %eq3A_730 : vector<16xi32>
        %jit3A_732 = arith.constant 0.000000e+00 : f32
        %broadcast_in_dim3A_733 = vector.broadcast %jit3A_732 : f32 to vector<16xf32>
        %select_n3A_734 = arith.select %eq3A_731, %scan3A_717, %broadcast_in_dim3A_733 : vector<16xi1>, vector<16xf32>
        %reduce_sum3A_735 = arith.constant true
        %reduce_sum3A_736 = vector.broadcast %reduce_sum3A_735 : i1 to vector<16xi1>
        %reduce_sum3A_737 = tpu.scan <sum>, %select_n3A_734 masked %reduce_sum3A_736 : vector<16xf32>, vector<16xi1> -> vector<16xf32>
        %reduce_sum3A_738 = vector.extract %reduce_sum3A_737[15] : f32 from vector<16xf32>
        %eq3A_739 = arith.constant 2 : i32
        %eq3A_740 = vector.broadcast %eq3A_739 : i32 to vector<16xi32>
        %eq3A_741 = arith.cmpi eq, %iota3A, %eq3A_740 : vector<16xi32>
        %jit3A_742 = arith.constant 0.000000e+00 : f32
        %broadcast_in_dim3A_743 = vector.broadcast %jit3A_742 : f32 to vector<16xf32>
        %select_n3A_744 = arith.select %eq3A_741, %scan3A_717, %broadcast_in_dim3A_743 : vector<16xi1>, vector<16xf32>
        %reduce_sum3A_745 = arith.constant true
        %reduce_sum3A_746 = vector.broadcast %reduce_sum3A_745 : i1 to vector<16xi1>
        %reduce_sum3A_747 = tpu.scan <sum>, %select_n3A_744 masked %reduce_sum3A_746 : vector<16xf32>, vector<16xi1> -> vector<16xf32>
        %reduce_sum3A_748 = vector.extract %reduce_sum3A_747[15] : f32 from vector<16xf32>
        %eq3A_749 = arith.constant 3 : i32
        %eq3A_750 = vector.broadcast %eq3A_749 : i32 to vector<16xi32>
        %eq3A_751 = arith.cmpi eq, %iota3A, %eq3A_750 : vector<16xi32>
        %jit3A_752 = arith.constant 0.000000e+00 : f32
        %broadcast_in_dim3A_753 = vector.broadcast %jit3A_752 : f32 to vector<16xf32>
        %select_n3A_754 = arith.select %eq3A_751, %scan3A_717, %broadcast_in_dim3A_753 : vector<16xi1>, vector<16xf32>
        %reduce_sum3A_755 = arith.constant true
        %reduce_sum3A_756 = vector.broadcast %reduce_sum3A_755 : i1 to vector<16xi1>
        %reduce_sum3A_757 = tpu.scan <sum>, %select_n3A_754 masked %reduce_sum3A_756 : vector<16xf32>, vector<16xi1> -> vector<16xf32>
        %reduce_sum3A_758 = vector.extract %reduce_sum3A_757[15] : f32 from vector<16xf32>
        %eq3A_759 = arith.constant 4 : i32
        %eq3A_760 = vector.broadcast %eq3A_759 : i32 to vector<16xi32>
        %eq3A_761 = arith.cmpi eq, %iota3A, %eq3A_760 : vector<16xi32>
        %jit3A_762 = arith.constant 0.000000e+00 : f32
        %broadcast_in_dim3A_763 = vector.broadcast %jit3A_762 : f32 to vector<16xf32>
        %select_n3A_764 = arith.select %eq3A_761, %scan3A_717, %broadcast_in_dim3A_763 : vector<16xi1>, vector<16xf32>
        %reduce_sum3A_765 = arith.constant true
        %reduce_sum3A_766 = vector.broadcast %reduce_sum3A_765 : i1 to vector<16xi1>
        %reduce_sum3A_767 = tpu.scan <sum>, %select_n3A_764 masked %reduce_sum3A_766 : vector<16xf32>, vector<16xi1> -> vector<16xf32>
        %reduce_sum3A_768 = vector.extract %reduce_sum3A_767[15] : f32 from vector<16xf32>
        %eq3A_769 = arith.constant 5 : i32
        %eq3A_770 = vector.broadcast %eq3A_769 : i32 to vector<16xi32>
        %eq3A_771 = arith.cmpi eq, %iota3A, %eq3A_770 : vector<16xi32>
        %jit3A_772 = arith.constant 0.000000e+00 : f32
        %broadcast_in_dim3A_773 = vector.broadcast %jit3A_772 : f32 to vector<16xf32>
        %select_n3A_774 = arith.select %eq3A_771, %scan3A_717, %broadcast_in_dim3A_773 : vector<16xi1>, vector<16xf32>
        %reduce_sum3A_775 = arith.constant true
        %reduce_sum3A_776 = vector.broadcast %reduce_sum3A_775 : i1 to vector<16xi1>
        %reduce_sum3A_777 = tpu.scan <sum>, %select_n3A_774 masked %reduce_sum3A_776 : vector<16xf32>, vector<16xi1> -> vector<16xf32>
        %reduce_sum3A_778 = vector.extract %reduce_sum3A_777[15] : f32 from vector<16xf32>
        %eq3A_779 = arith.constant 6 : i32
        %eq3A_780 = vector.broadcast %eq3A_779 : i32 to vector<16xi32>
        %eq3A_781 = arith.cmpi eq, %iota3A, %eq3A_780 : vector<16xi32>
        %jit3A_782 = arith.constant 0.000000e+00 : f32
        %broadcast_in_dim3A_783 = vector.broadcast %jit3A_782 : f32 to vector<16xf32>
        %select_n3A_784 = arith.select %eq3A_781, %scan3A_717, %broadcast_in_dim3A_783 : vector<16xi1>, vector<16xf32>
        %reduce_sum3A_785 = arith.constant true
        %reduce_sum3A_786 = vector.broadcast %reduce_sum3A_785 : i1 to vector<16xi1>
        %reduce_sum3A_787 = tpu.scan <sum>, %select_n3A_784 masked %reduce_sum3A_786 : vector<16xf32>, vector<16xi1> -> vector<16xf32>
        %reduce_sum3A_788 = vector.extract %reduce_sum3A_787[15] : f32 from vector<16xf32>
        %eq3A_789 = arith.constant 7 : i32
        %eq3A_790 = vector.broadcast %eq3A_789 : i32 to vector<16xi32>
        %eq3A_791 = arith.cmpi eq, %iota3A, %eq3A_790 : vector<16xi32>
        %jit3A_792 = arith.constant 0.000000e+00 : f32
        %broadcast_in_dim3A_793 = vector.broadcast %jit3A_792 : f32 to vector<16xf32>
        %select_n3A_794 = arith.select %eq3A_791, %scan3A_717, %broadcast_in_dim3A_793 : vector<16xi1>, vector<16xf32>
        %reduce_sum3A_795 = arith.constant true
        %reduce_sum3A_796 = vector.broadcast %reduce_sum3A_795 : i1 to vector<16xi1>
        %reduce_sum3A_797 = tpu.scan <sum>, %select_n3A_794 masked %reduce_sum3A_796 : vector<16xf32>, vector<16xi1> -> vector<16xf32>
        %reduce_sum3A_798 = vector.extract %reduce_sum3A_797[15] : f32 from vector<16xf32>
        %get3A_799 = arith.constant 32 : index
        %get3A_800 = tpu.vector_load %arg22[%get3A_799] {strides = array<i32>} : memref<48xf32, #tpu.memory_space<vmem>>, vector<16xf32>,
        %eq3A_801 = arith.constant 0 : i32
        %eq3A_802 = vector.broadcast %eq3A_801 : i32 to vector<16xi32>
        %eq3A_803 = arith.cmpi eq, %iota3A, %eq3A_802 : vector<16xi32>
        %jit3A_804 = arith.constant 0.000000e+00 : f32
        %broadcast_in_dim3A_805 = vector.broadcast %jit3A_804 : f32 to vector<16xf32>
        %select_n3A_806 = arith.select %eq3A_803, %get3A_800, %broadcast_in_dim3A_805 : vector<16xi1>, vector<16xf32>
        %reduce_sum3A_807 = arith.constant true
        %reduce_sum3A_808 = vector.broadcast %reduce_sum3A_807 : i1 to vector<16xi1>
        %reduce_sum3A_809 = tpu.scan <sum>, %select_n3A_806 masked %reduce_sum3A_808 : vector<16xf32>, vector<16xi1> -> vector<16xf32>
        %reduce_sum3A_810 = vector.extract %reduce_sum3A_809[15] : f32 from vector<16xf32>
        %eq3A_811 = arith.constant 0 : i32
        %eq3A_812 = vector.broadcast %eq3A_811 : i32 to vector<16xi32>
        %eq3A_813 = arith.cmpi eq, %iota3A, %eq3A_812 : vector<16xi32>
        %eq3A_814 = arith.constant 1 : i32
        %eq3A_815 = vector.broadcast %eq3A_814 : i32 to vector<16xi32>
        %eq3A_816 = arith.cmpi eq, %iota3A, %eq3A_815 : vector<16xi32>
        %eq3A_817 = arith.constant 2 : i32
        %eq3A_818 = vector.broadcast %eq3A_817 : i32 to vector<16xi32>
        %eq3A_819 = arith.cmpi eq, %iota3A, %eq3A_818 : vector<16xi32>
        %mul3A_820 = arith.mulf %reduce_sum3A_810, %reduce_sum3A_768 : f32
        %eq3A_821 = arith.constant 3 : i32
        %eq3A_822 = vector.broadcast %eq3A_821 : i32 to vector<16xi32>
        %eq3A_823 = arith.cmpi eq, %iota3A, %eq3A_822 : vector<16xi32>
        %neg3A = arith.constant 0.000000e+00 : f32
        %neg3A_824 = arith.subf %neg3A, %reduce_sum3A_810 : f32
        %mul3A_825 = arith.mulf %neg3A_824, %reduce_sum3A_778 : f32
        %eq3A_826 = arith.constant 4 : i32
        %eq3A_827 = vector.broadcast %eq3A_826 : i32 to vector<16xi32>
        %eq3A_828 = arith.cmpi eq, %iota3A, %eq3A_827 : vector<16xi32>
        %eq3A_829 = arith.constant 5 : i32
        %eq3A_830 = vector.broadcast %eq3A_829 : i32 to vector<16xi32>
        %eq3A_831 = arith.cmpi eq, %iota3A, %eq3A_830 : vector<16xi32>
        %jit3A_832 = arith.constant 0.000000e+00 : f32
        %broadcast_in_dim3A_833 = vector.broadcast %reduce_sum3A_798 : f32 to vector<16xf32>
        %broadcast_in_dim3A_834 = vector.broadcast %jit3A_832 : f32 to vector<16xf32>
        %select_n3A_835 = arith.select %eq3A_831, %broadcast_in_dim3A_833, %broadcast_in_dim3A_834 : vector<16xi1>, vector<16xf32>
        %broadcast_in_dim3A_836 = vector.broadcast %reduce_sum3A_788 : f32 to vector<16xf32>
        %select_n3A_837 = arith.select %eq3A_828, %broadcast_in_dim3A_836, %select_n3A_835 : vector<16xi1>, vector<16xf32>
        %broadcast_in_dim3A_838 = vector.broadcast %mul3A_825 : f32 to vector<16xf32>
        %select_n3A_839 = arith.select %eq3A_823, %broadcast_in_dim3A_838, %select_n3A_837 : vector<16xi1>, vector<16xf32>
        %broadcast_in_dim3A_840 = vector.broadcast %mul3A_820 : f32 to vector<16xf32>
        %select_n3A_841 = arith.select %eq3A_819, %broadcast_in_dim3A_840, %select_n3A_839 : vector<16xi1>, vector<16xf32>
        %broadcast_in_dim3A_842 = vector.broadcast %reduce_sum3A_758 : f32 to vector<16xf32>
        %select_n3A_843 = arith.select %eq3A_816, %broadcast_in_dim3A_842, %select_n3A_841 : vector<16xi1>, vector<16xf32>
        %broadcast_in_dim3A_844 = vector.broadcast %reduce_sum3A_748 : f32 to vector<16xf32>
        %select_n3A_845 = arith.select %eq3A_813, %broadcast_in_dim3A_844, %select_n3A_843 : vector<16xi1>, vector<16xf32>
        %eq3A_846 = arith.constant 0 : i32
        %eq3A_847 = vector.broadcast %eq3A_846 : i32 to vector<16xi32>
        %eq3A_848 = arith.cmpi eq, %iota3A, %eq3A_847 : vector<16xi32>
        %eq3A_849 = arith.constant 3 : i32
        %eq3A_850 = vector.broadcast %eq3A_849 : i32 to vector<16xi32>
        %eq3A_851 = arith.cmpi eq, %iota3A, %eq3A_850 : vector<16xi32>
        %or3A = arith.ori %eq3A_848, %eq3A_851 : vector<16xi1>
        %eq3A_852 = arith.constant 4 : i32
        %eq3A_853 = vector.broadcast %eq3A_852 : i32 to vector<16xi32>
        %eq3A_854 = arith.cmpi eq, %iota3A, %eq3A_853 : vector<16xi32>
        %or3A_855 = arith.ori %or3A, %eq3A_854 : vector<16xi1>
        %eq3A_856 = arith.constant 1 : i32
        %eq3A_857 = vector.broadcast %eq3A_856 : i32 to vector<16xi32>
        %eq3A_858 = arith.cmpi eq, %iota3A, %eq3A_857 : vector<16xi32>
        %eq3A_859 = arith.constant 2 : i32
        %eq3A_860 = vector.broadcast %eq3A_859 : i32 to vector<16xi32>
        %eq3A_861 = arith.cmpi eq, %iota3A, %eq3A_860 : vector<16xi32>
        %or3A_862 = arith.ori %eq3A_858, %eq3A_861 : vector<16xi1>
        %eq3A_863 = arith.constant 5 : i32
        %eq3A_864 = vector.broadcast %eq3A_863 : i32 to vector<16xi32>
        %eq3A_865 = arith.cmpi eq, %iota3A, %eq3A_864 : vector<16xi32>
        %or3A_866 = arith.ori %or3A_862, %eq3A_865 : vector<16xi1>
        %jit3A_867 = arith.constant 1.000000e+00 : f32
        %broadcast_in_dim3A_868 = vector.broadcast %reduce_sum3A_738 : f32 to vector<16xf32>
        %broadcast_in_dim3A_869 = vector.broadcast %jit3A_867 : f32 to vector<16xf32>
        %select_n3A_870 = arith.select %or3A_866, %broadcast_in_dim3A_868, %broadcast_in_dim3A_869 : vector<16xi1>, vector<16xf32>
        %broadcast_in_dim3A_871 = vector.broadcast %reduce_sum3A_728 : f32 to vector<16xf32>
        %select_n3A_872 = arith.select %or3A_855, %broadcast_in_dim3A_871, %select_n3A_870 : vector<16xi1>, vector<16xf32>
        %div3A = arith.divf %select_n3A_845, %select_n3A_872 : vector<16xf32>
        %reduce_sum3A_873 = arith.constant true
        %reduce_sum3A_874 = vector.broadcast %reduce_sum3A_873 : i1 to vector<16xi1>
        %reduce_sum3A_875 = tpu.scan <sum>, %div3A masked %reduce_sum3A_874 : vector<16xf32>, vector<16xi1> -> vector<16xf32>
        %reduce_sum3A_876 = vector.extract %reduce_sum3A_875[15] : f32 from vector<16xf32>
        %eq3A_877 = arith.constant 0 : i32
        %eq3A_878 = vector.broadcast %eq3A_877 : i32 to vector<16xi32>
        %eq3A_879 = arith.cmpi eq, %iota3A, %eq3A_878 : vector<16xi32>
        %jit3A_880 = arith.constant 0.000000e+00 : f32
        %broadcast_in_dim3A_881 = vector.broadcast %reduce_sum3A_876 : f32 to vector<16xf32>
        %broadcast_in_dim3A_882 = vector.broadcast %jit3A_880 : f32 to vector<16xf32>
        %select_n3A_883 = arith.select %eq3A_879, %broadcast_in_dim3A_881, %broadcast_in_dim3A_882 : vector<16xi1>, vector<16xf32>
        %swap3A_884 = arith.constant 0 : index
        %swap3A_885 = tpu.vector_load %arg24[%swap3A_884] {strides = array<i32>} : memref<16xf32, #tpu.memory_space<vmem>>, vector<16xf32>,
        tpu.vector_store %arg24[%swap3A_884], %select_n3A_883 {strides = array<i32>} : memref<16xf32, #tpu.memory_space<vmem>>, vector<16xf32>,
        "tpu.region"() ({
          %run_scoped3A = tpu.sem_alloc : memref<!tpu.dma_semaphore, #tpu.memory_space<semaphore_mem>>
          tpu.enqueue_dma source(%arg24 : memref<16xf32, #tpu.memory_space<vmem>>) target(%arg11 : memref<16xf32, #tpu.memory_space<hbm>>) target_semaphore(%run_scoped3A : memref<!tpu.dma_semaphore, #tpu.memory_space<semaphore_mem>>)
          tpu.wait_dma2 semaphore(%run_scoped3A : memref<!tpu.dma_semaphore, #tpu.memory_space<semaphore_mem>>) src(%arg24 : memref<16xf32, #tpu.memory_space<vmem>>) dst(%arg11 : memref<16xf32, #tpu.memory_space<hbm>>)
          tpu.yield
        }) : () -> ()
      } else {
      }
    } else {
    }
    return
  }
}

</mosaic_0001>

<sc_bundles>
// kernel: kernel.3.cloned.1.call-start
scs
__scs_entry_jumppad:
0x0: {  	(pc) =	sbr.rel $0x88, $3  }
0x1: {  	(tag) =	ssettag $0x0;
	lr =	simm.s32 $0x1  }
0x2: {  	[smem:$0x3F98] =	sst lr;
	_ =	strace $0xD0000000  }
0x3: {  	_ = 	snop  }
0x4: {  	_ = 	snop  }
0x5: {  	_ = 	snop  }
0x6: {  	_ = 	snop  }
0x7: {  	_ = 	snop  }
__scs_overlays_trampoline_lowered:
0x8: {  	[smem:$0x3FA7] =	sst s0  }
0x9: {  	[smem:$0x3FA8] =	sst s1  }
0xa: {  	[smem:$0x3FA9] =	sst s2  }
0xb: {  	[smem:$0x3FAA] =	sst s3  }
0xc: {  	[smem:$0x3FAB] =	sst s4  }
0xd: {  	[smem:$0x3FAC] =	sst s5  }
0xe: {  	[smem:$0x3FAD] =	sst s6  }
0xf: {  	[smem:$0x3FAE] =	sst s7  }
0x10: {  	[smem:$0x3FAF] =	sst s8  }
0x11: {  	[smem:$0x3FB0] =	sst s9;
	s0 =	simm.s32 @!p0 $0x0  }
0x12: {  	s1 =	sld [smem:$0x3F96];
	s0 =	simm.s32 @p0 $0x1  }
0x13: {  	[smem:$0x3FB1] =	sst s0;
	s0 =	simm.s32 @!p1 $0x0  }
0x14: {  	s2 =	sld [smem:$0x3F95];
	s0 =	simm.s32 @p1 $0x1  }
0x15: {  	[smem:$0x3FB2] =	sst s0;
	s0 =	simm.s32 @!p2 $0x0  }
0x16: {  	s3 =	sld [smem:$0x3FDB];
	s0 =	simm.s32 @p2 $0x1  }
0x17: {  	s4 =	simm.s32 $0x1BF5;
	[smem:$0x3FB4] =	sst s0  }
0x18: {  	s0 =	sld [smem:$0x3F97];
	_ =	swait.ge [sflag:s4], $0x0  }
0x19: {  	s7 =	sld [smem:$0x3F98]  }
0x1a: {  	s8 =	sadd.s32 $0xFFFFE003, lr  }
0x1b: {  	s9 =	sadd.s32 $0xFFFFFEF7, lr;
	s5 =	simm.s32 $0xFFFFFFFF;
	p2 =	slt.u32 s8, $0xFFFFF086  }
0x1c: {  	p1 =	slt.u32 s9, $0xF7A;
	s5 =	simm.s32 @!p2 $0x0  }
0x1d: {  	s5 =	simm.s32 @p1 $0x1;
	p0 =	seq.s32 s7, s2  }
0x1e: {  	s7 =	smul.u32 @!p0 $0xF7A, s2;
	p2 =	seq.s32 @!p0 s5, $0x0  }
0x1f: {  	s9 =	smul.u32 $0xF7A, s1;
	s8 =	simm.s32 @!p0 $0x1BF5;
	p2 =	por !p2, p0  }
0x20: {  	[sflag:s8] =	ssyncset.s32 @!p0 $0xFFFFF086;
	s6 =	sadd.s32 @!p0 s3, s7;
	s7 =	simm.s32 @!p0 $0x108  }
0x21: {  	s3 =	sadd.s32 s3, s9;
	s6 =	sadd.s32 @!p0 $0x88, s6;
	s7 =	simm.s32 @p2 $0x1082  }
0x22: {  	[simem:s7], [sflag:s8] =	dma.local @!p0 [hbm:s6], $0xF7A  }
0x23: {  	s9 =	sor.u32 $0xD0000000, s2;
	s6 =	simm.s32 $0x108;
	_ =	swait.ge @!p0 [sflag:s8], $0x0  }
0x24: {  	s3 =	sadd.s32 $0x88, s3;
	s6 =	simm.s32 @!p1 $0x1082;
	[sflag:s4] =	ssyncset.s32 $0xFFFFF086  }
0x25: {  	[simem:s6], [sflag:s4] =	dma.local [hbm:s3], $0xF7A  }
0x26: {  	[smem:$0x3F98] =	sst s1;
	(tag) =	ssettag s2;
	_ =	strace s9  }
0x27: {  	s1 =	sld [smem:$0x3FA8]  }
0x28: {  	s2 =	sld [smem:$0x3FA9]  }
0x29: {  	s4 =	sld [smem:$0x3FAB]  }
0x2a: {  	p0 =	seq.s32 s5, $0x0;
	s5 =	sld [smem:$0x3FAC]  }
0x2b: {  	s6 =	sld [smem:$0x3FAD]  }
0x2c: {  	s7 =	sld [smem:$0x3FAE]  }
0x2d: {  	s3 =	simm.s32 $0x108;
	s8 =	sld [smem:$0x3FAF]  }
0x2e: {  	s3 =	simm.s32 @!p0 $0x1082;
	s9 =	sld [smem:$0x3FB0]  }
0x2f: {  	lr =	sadd.s32 s0, s3;
	s0 =	sld [smem:$0x3FA7]  }
0x30: {  	s3 =	sld [smem:$0x3FAA]  }
0x31: {  	[smem:$0x3FB3] =	sst s10  }
0x32: {  	s10 =	sld [smem:$0x3FB1];
	_ =	sdelay $0x3  }
0x33: {  	p0 =	seq.s32 s10, $0x1;
	s10 =	sld [smem:$0x3FB3];
	_ =	sdelay $0x3  }
0x34: {  	[smem:$0x3FB3] =	sst s10  }
0x35: {  	s10 =	sld [smem:$0x3FB2];
	_ =	sdelay $0x3  }
0x36: {  	p1 =	seq.s32 s10, $0x1;
	s10 =	sld [smem:$0x3FB3];
	_ =	sdelay $0x3  }
0x37: {  	[smem:$0x3FB3] =	sst s10  }
0x38: {  	s10 =	sld [smem:$0x3FB4]  }
0x39: {  	_ = 	snop;
	(pc) =	sbr.ind lr, $3  }
0x3a: {  	_ = 	snop  }
0x3b: {  	_ = 	snop  }
0x3c: {  	p2 =	seq.s32 s10, $0x1;
	s10 =	sld [smem:$0x3FB3]  }
0x3d: {  	_ =	shalt  }
0x3e: {  	_ =	shalt  }
0x3f: {  	_ =	shalt  }
0x40: {  	_ =	shalt  }
0x41: {  	_ =	shalt  }
0x42: {  	_ =	shalt  }
0x43: {  	_ =	shalt  }
0x44: {  	_ =	shalt  }
0x45: {  	_ =	shalt  }
0x46: {  	_ =	shalt  }
0x47: {  	_ =	shalt  }
0x48: {  	_ =	shalt  }
0x49: {  	_ =	shalt  }
0x4a: {  	_ =	shalt  }
0x4b: {  	_ =	shalt  }
0x4c: {  	_ =	shalt  }
0x4d: {  	_ =	shalt  }
0x4e: {  	_ =	shalt  }
0x4f: {  	_ =	shalt  }
0x50: {  	_ =	shalt  }
0x51: {  	_ =	shalt  }
0x52: {  	_ =	shalt  }
0x53: {  	_ =	shalt  }
0x54: {  	_ =	shalt  }
0x55: {  	_ =	shalt  }
0x56: {  	_ =	shalt  }
0x57: {  	_ =	shalt  }
0x58: {  	_ =	shalt  }
0x59: {  	_ =	shalt  }
0x5a: {  	_ =	shalt  }
0x5b: {  	_ =	shalt  }
0x5c: {  	_ =	shalt  }
0x5d: {  	_ =	shalt  }
0x5e: {  	_ =	shalt  }
0x5f: {  	_ =	shalt  }
0x60: {  	_ =	shalt  }
0x61: {  	_ =	shalt  }
0x62: {  	_ =	shalt  }
0x63: {  	_ =	shalt  }
0x64: {  	_ =	shalt  }
0x65: {  	_ =	shalt  }
0x66: {  	_ =	shalt  }
0x67: {  	_ =	shalt  }
0x68: {  	_ =	shalt  }
0x69: {  	_ =	shalt  }
0x6a: {  	_ =	shalt  }
0x6b: {  	_ =	shalt  }
0x6c: {  	_ =	shalt  }
0x6d: {  	_ =	shalt  }
0x6e: {  	_ =	shalt  }
0x6f: {  	_ =	shalt  }
0x70: {  	_ =	shalt  }
0x71: {  	_ =	shalt  }
0x72: {  	_ =	shalt  }
0x73: {  	_ =	shalt  }
0x74: {  	_ =	shalt  }
0x75: {  	_ =	shalt  }
0x76: {  	_ =	shalt  }
0x77: {  	_ =	shalt  }
0x78: {  	_ =	shalt  }
0x79: {  	_ =	shalt  }
0x7a: {  	_ =	shalt  }
0x7b: {  	_ =	shalt  }
0x7c: {  	_ =	shalt  }
0x7d: {  	_ =	shalt  }
0x7e: {  	_ =	shalt  }
0x7f: {  	_ =	shalt  }
0x80: {  	_ =	shalt  }
0x81: {  	_ =	shalt  }
0x82: {  	_ =	shalt  }
0x83: {  	_ =	shalt  }
0x84: {  	_ =	shalt  }
0x85: {  	_ =	shalt  }
0x86: {  	_ =	shalt  }
0x87: {  	_ =	shalt  }
.Lfunc_end0:
.L_simem_size_0:
called_computation_lowered:
.L_overlay_start_0:
0x88: {  	s2 =	sld [smem:$0x3FD9]  }
0x89: {  	s3 =	sld [smem:$0x3FFE];
	_ =	sdelay $0x1  }
0x8a: {  	s1 =	srdreg.scid  }
0x8b: {  	s0 =	sand.u32 $0x1, s1  }
0x8c: {  	s17 =	sshll.u32 s0, $0xA;
	s2 =	sadd.s32 s3, s2  }
0x8d: {  	s2 =	sadd.s32 s2, s17  }
0x8e: {  	[smem:$0x3FBF] =	sst s2  }
0x8f: {  	_ = 	snop  }
0x90: {  	s2 =	sld [smem:$0x3FC9]  }
0x91: {  	s18 =	sld [smem:$0x3FC8]  }
0x92: {  	s4 =	sld [smem:$0x3FC7]  }
0x93: {  	s5 =	sld [smem:$0x3FC6]  }
0x94: {  	s6 =	sld [smem:$0x3FC5]  }
0x95: {  	s7 =	sld [smem:$0x3FC4]  }
0x96: {  	s8 =	sld [smem:$0x3FD0];
	(tm) =	ssettm $0x1  }
0x97: {  	s9 =	sld [smem:$0x3FFB];
	_ =	sdelay $0x3  }
0x98: {  	_ =	strace s9  }
0x99: {  	s9 =	sld [smem:$0x3FFC];
	_ =	sdelay $0x3  }
0x9a: {  	_ =	strace s9  }
0x9b: {  	s9 =	sld [smem:$0x3FFD];
	_ =	sdelay $0x3  }
0x9c: {  	_ =	strace s9  }
0x9d: {  	_ =	strace $0x8FFFFFFF  }
0x9e: {  	s19 =	sld [smem:$0x3FDB];
	_ =	sdelay $0x1  }
0x9f: {  	s10 =	simm.s32 $_scs_section_size  }
0xa0: {  	s11 =	simm.s32 $_size__tile_overlayer_lowered;
	s12 =	simm.s32 $_tile_overlayer_lowered  }
0xa1: {  	s22 =	simm.s32 $0x1BFF;
	s21 =	sshll.u32 s12, $0x1;
	s9 =	sadd.s32 s10, s19  }
0xa2: {  	s13 =	simm.s32 $0x0;
	s20 =	sshll.u32 s11, $0x1;
	s11 =	sadd.s32 s21, s9  }
0xa3: {  	[timem:s13], [sflag:s22] =	dma.local [hbm:s11], s20  }
0xa4: {  	_ =	swait.ge [sflag:s22], s20  }
0xa5: {  	s10 =	ssub.s32 $0x0, s20;
	[sflag:s22] =	ssyncset.done $0x0  }
0xa6: {  	[sflag:s22] =	ssyncadd.s32 s10;
	_ =	sdelay $0x1  }
0xa7: {  	s23 =	simm.s32 $0x1B8B  }
0xa8: {  	_ =	swait.ge [sflag:s23], $0x1  }
0xa9: {  	[sflag:s23] =	ssyncset.done $0x0  }
0xaa: {  	s25 =	simm.s32 $0x1B8E;
	s24 =	sld [smem:$0x3FFE];
	[sflag:s23] =	ssyncadd.s32 $0xFFFFFFFF  }
0xab: {  	s26 =	simm.s32 $execute0_lowered;
	[smem:$0x3FD2] =	sst s25  }
0xac: {  	s11 =	sshll.u32 s26, $0x1;
	_ =	strace $0x80000046;
	[dreg:$0x1] =	wrdreg $0xFFFFFFFF  }
0xad: {  	s28 =	simm.s32 $_size_execute0_lowered;
	s9 =	sadd.s32 s9, s11;
	[dreg:$0x0] =	wrdreg $0x0  }
0xae: {  	s11 =	sshll.u32 s28, $0x1;
	[dreg:$0x2] =	wrdreg s9  }
0xaf: {  	[dreg:$0x3] =	wrdreg s11  }
0xb0: {  	[dreg:$0x4] =	wrdreg $0xC0  }
0xb1: {  	_ =	task [dreg:s13], $0x5FFFF  }
0xb2: {  	[dreg:$0x1] =	wrdreg $0xFFFFFFFF  }
0xb3: {  	[dreg:$0x0] =	wrdreg $0x60  }
0xb4: {  	[dreg:$0x2] =	wrdreg s5  }
0xb5: {  	[dreg:$0x3] =	wrdreg s2  }
0xb6: {  	[dreg:$0x4] =	wrdreg s18  }
0xb7: {  	[dreg:$0x5] =	wrdreg s4  }
0xb8: {  	[dreg:$0x6] =	wrdreg s6  }
0xb9: {  	[dreg:$0x7] =	wrdreg s7  }
0xba: {  	[dreg:$0x8] =	wrdreg s24  }
0xbb: {  	[dreg:$0x9] =	wrdreg s8  }
0xbc: {  	[dreg:$0xa] =	wrdreg $0x9  }
0xbd: {  	_ =	task.clear_ibuf [dreg:s13], $0xBFFFF;
	_ =	strace $0x90000046  }
0xbe: {  	s29 =	simm.s32 $0x9;
	_ =	strace $0x80000048  }
0xbf: {  	_ =	swait.ge [sflag:s29], $0x1  }
0xc0: {  	[sflag:s29] =	ssyncadd.s32 $0xFFFFFFFF  }
0xc1: {  	_ =	strace $0x90000048  }
0xc2: {  	_ =	sfence  }
0xc3: {  	s30 =	sld [smem:$0x0];
	_ =	sdelay $0x2  }
0xc4: {  	s31 =	sshll.u32 s1, $0xD;
	s1 =	sshrl.u32 s1, $0x2  }
0xc5: {  	s3 =	sand.u32 $0x4000, s31;
	s1 =	sadd.s32 s1, s30  }
0xc6: {  	s0 =	sor.u32 s3, s0;
	s1 =	sshll.u32 s1, $0x11  }
0xc7: {  	s0 =	sor.u32 s1, s0  }
0xc8: {  	s0 =	sadd.s32 $0x8F2B, s0  }
0xc9: {  	[sflag:s0] =	ssyncadd.remote.s32 $0x1  }
0xca: {  	_ =	sfence.sel $0xFFFF  }
0xcb: {  	[dreg:$0x0] =	wrdreg $0xFFFFFFFF;
	(pc) =	sbr.abs _section_cstart, $3  }
0xcc: {  	[dreg:$0x1] =	wrdreg $0xFFFFFFFF  }
0xcd: {  	_ =	task.clear_ibuf [dreg:s13], $0x2FFFF;
	_ =	strace $0x9FFFFFFF  }
0xce: {  	(tm) =	ssettm $0x7FFFFFFF  }
0xcf: {  	_ =	shalt  }
tec
execute0_lowered:
.L_overlay_start_1:
0x0: {  	(tag) =	ssettag $0x1  }
0x1: {  	s11 =	rddreg [dreg:$0x0]  }
0x2: {  	s6 =	rddreg [dreg:$0x1]  }
0x3: {  	s5 =	rddreg [dreg:$0x2];
	s2 =	srdreg.scid  }
0x4: {  	s4 =	rddreg [dreg:$0x3];
	s2 =	sand.u32 $0x1, s2  }
0x5: {  	s8 =	rddreg [dreg:$0x4];
	p0 =	seq.s32 s2, $0x1  }
.Ltmp0:
0x6: {  	s7 =	rddreg [dreg:$0x5];
	(pc) =	sbr.rel @p0 .LBB2_10-.Ltmp0, $4  }
0x7: {  	s3 =	rddreg [dreg:$0x6]  }
0x8: {  	s1 =	rddreg [dreg:$0x7];
	s23 =	simm.s32 $0x0  }
0x9: {  	[smem:$0x7FF] =	sst s23  }
0xa: {  	s0 =	rddreg [dreg:$0x8];
	_ =	strace $0x80000047;
	s2 =	stileid.u32  }
0xb: {  	s14 =	smul.u32 $0xF440, s2;
	s9 =	sadd.s32 $0x800, s3;
	s10 =	sadd.s32 $0xA00, s3  }
0xc: {  	s3 =	sadd.s32 $0x1F400, s3;
	s22 =	sshll.u32 s2, $0xA;
	s25 =	sshll.u32 s2, $0x7  }
0xd: {  	[tilespmem:s23], [sflag:$0x5] =	stream.linear.gather [hbm4b:s11+s23], $0x4000, $0x38;
	[tilespmem:$0x15680] =	vst v63  }
0xe: {  	s26 =	simm.s32 $0x5;
	s28 =	sshll.u32 s2, $0x1;
	s21 =	sor.u32 $0x80, s22  }
0xf: {  	s19 =	sor.u32 $0x100, s22;
	s18 =	sor.u32 $0x180, s22;
	s17 =	sor.u32 $0x200, s22  }
0x10: {  	s16 =	sor.u32 $0x280, s22;
	s15 =	sor.u32 $0x300, s22;
	s13 =	sor.u32 $0x380, s22  }
0x11: {  	s11 =	sadd.s32 s6, s25;
	_ =	swait.ge [sflag:s26], $0x4000;
	s12 =	sshrl.u32 s14, $0x3  }
0x12: {  	s24 =	sadd.s32 $0xF440, s14;
	v0 =	vmov s14;
	s14 =	sadd.s32 s4, s25;
	s4 =	sadd.s32 s3, s28  }
0x13: {  	v2 =	vimm.s32 $0x0;
	[sflag:s26] =	ssyncset.done $0x0;
	s20 =	sadd.s32 s10, s12;
	s12 =	sadd.s32 s5, s25  }
0x14: {  	v3 =	vlaneseq.u32;
	v4 =	vimm.s32 $0x0;
	v1 =	vmov s24;
	[sflag:s26] =	ssyncadd.s32 $0xFFFFC000;
	s24 =	simm.s32 $0x4000;
	s25 =	simm.s32 $0x0  }
.LBB2_2:
0x15: {  	v5 =	vld [tilespmem:s23+$0x0];
	_ =	sdelay $0x4  }
0x16: {  	vm0 =	vge.s32 v5, v0;
	vm1 =	vlt.s32 v5, v1  }
0x17: {  	v5 =	vsub.s32 v5, v0;
	vm0 =	vmand vm0, vm1  }
0x18: {  	v5 =	vnsel vm0, $0x0, v5;
	_ =	sdelay $0x3  }
0x19: {  	v6 =	vor.u32 s25, v3  }
0x1a: {  	[tilespmem:v5+s24+$0x0] =	vst.idx.msk vm0, v6  }
0x1b: {  	v7 =	vld.idx.msk [tilespmem:v5+s24+$0x0], vm0;
	_ =	sdelay $0x4  }
0x1c: {  	vm15 =	vlt.s32 v7, v6  }
0x1d: {  	vm0 =	vmand vm0, vm15  }
0x1e: {  	p0 =	seq.s32 s25, $0x3FF0  }
.Ltmp1:
0x1f: {  	_ = 	snop;
	(pc) =	sbr.rel @!p0 .LBB2_2-.Ltmp1, $3  }
0x20: {  	_ =	sdelay $0x1  }
0x21: {  	v7 =	vsel vm0, $0x1, v2  }
0x22: {  	s23 =	sadd.s32 $0x10, s23;
	s25 =	sadd.s32 $0x10, s25;
	v4 =	vadd.s32 v7, v4;
	[tilespmem:v5+s24+$0x0] =	vst.idx.msk vm0, v6  }
0x23: {  	(xrf0) =	vadd.scan.msk.s32 $0xffff, v4;
	_ =	sdelay $0x5  }
0x24: {  	v2, _, _ =	vpop (xrf0)  }
0x25: {  	(v2sf) =	vpush v2, $0xF;
	_ =	sdelay $0xe  }
0x26: {  	s23 =	spop (v2sf)  }
0x27: {  	p0 =	sgt.s32 s23, $0x0  }
.Ltmp2:
0x28: {  	_ = 	snop;
	(pc) =	sbr.rel @!p0 .LBB2_6-.Ltmp2, $1  }
0x29: {  	_ =	sdelay $0x3  }
0x2a: {  	s23 =	simm.s32 $0x0;
	v4 =	vimm.s32 $0x0;
	v2 =	vlaneseq.u32;
	s24 =	simm.s32 $0x4000;
	v3 =	vimm.s32 $0x0  }
.LBB2_5:
0x2b: {  	s25 =	sshll.u32 s23, $0x4  }
0x2c: {  	v5 =	vld [tilespmem:s25+$0x0];
	_ =	sdelay $0x4  }
0x2d: {  	vm0 =	vge.s32 v5, v0;
	vm1 =	vlt.s32 v5, v1  }
0x2e: {  	v5 =	vsub.s32 v5, v0;
	vm0 =	vmand vm0, vm1  }
0x2f: {  	v5 =	vnsel vm0, $0x0, v5;
	_ =	sdelay $0x4  }
0x30: {  	v6 =	vld.idx.msk [tilespmem:v5+s24+$0x0], vm0;
	_ =	sdelay $0x3  }
0x31: {  	v7 =	vor.u32 s25, v2  }
0x32: {  	vm15 =	vlt.s32 v6, v7  }
0x33: {  	vm0 =	vmand vm0, vm15  }
0x34: {  	s23 =	sadd.s32 $0x1, s23;
	v6 =	vsel vm0, $0x1, v3  }
0x35: {  	p0 =	seq.s32 s23, $0x400;
	v4 =	vadd.s32 v6, v4  }
0x36: {  	(xrf0) =	vadd.scan.msk.s32 @p0 $0xffff, v4;
	_ =	sdelay $0x5  }
0x37: {  	v6, _, _ =	vpop @p0 (xrf0)  }
0x38: {  	(v2sf) =	vpush @p0 v6, $0xF;
	_ =	sdelay $0xe  }
0x39: {  	s25 =	spop @p0 (v2sf)  }
0x3a: {  	p1 =	slt.s32 @p0 s25, $0x1  }
0x3b: {  	p1 =	por !p0, !p1  }
.Ltmp3:
0x3c: {  	_ = 	snop;
	(pc) =	sbr.rel @p1 .LBB2_5-.Ltmp3, $2  }
0x3d: {  	_ =	sdelay $0x2  }
0x3e: {  	s23 =	simm.s32 @p0 $0x0;
	v4 =	vpsel p0, $0x0, v4;
	[tilespmem:v5+s24+$0x0] =	vst.idx.msk vm0, v7  }
.LBB2_6:
0x3f: {  	s24 =	simm.s32 $0x0;
	s23 =	simm.s32 $0x4000;
	s26 =	simm.s32 $0x5  }
0x40: {  	[hbm4b:s20+s24] =	stream.linear.scatter [tilespmem:s23], [sflag:$0x5], $0xF440, $0x38;
	[tilespmem:$0x15680] =	vst v63  }
0x41: {  	_ =	swait.ge [sflag:s26], $0xF440  }
0x42: {  	[sflag:s26] =	ssyncset.done $0x0  }
0x43: {  	[sflag:s26] =	ssyncadd.s32 $0xFFFF0BC0  }
0x44: {  	s20 =	simm.s32 $0x80;
	s23 =	simm.s32 $0x13480;
	[bflag:$0x0] =	sbarrier.arrive $0xFFFF  }
0x45: {  	[tilespmem:s23], [sflag:$0x1] =	stream.indirect.gather [hbm4b:s10+s20], $0x1, s22, s20, $0xb8;
	[tilespmem:$0x15680] =	vst v63  }
0x46: {  	s25 =	simm.s32 $0x13880  }
0x47: {  	[tilespmem:s25], [sflag:$0x2] =	stream.indirect.gather [hbm4b:s8+s20], $0x1, s22, s20, $0xb8;
	[tilespmem:$0x15680] =	vst v63  }
0x48: {  	s28 =	simm.s32 $0x13C80  }
0x49: {  	[tilespmem:s28], [sflag:$0x2] =	stream.indirect.gather [hbm4b:s7+s20], $0x1, s22, s20, $0xb8;
	[tilespmem:$0x15680] =	vst v63  }
0x4a: {  	s22 =	simm.s32 $0x13500  }
0x4b: {  	[tilespmem:s22], [sflag:$0x1] =	stream.indirect.gather [hbm4b:s10+s20], $0x1, s21, s20, $0xb8;
	[tilespmem:$0x15680] =	vst v63  }
0x4c: {  	s29 =	simm.s32 $0x13900  }
0x4d: {  	[tilespmem:s29], [sflag:$0x2] =	stream.indirect.gather [hbm4b:s8+s20], $0x1, s21, s20, $0xb8;
	[tilespmem:$0x15680] =	vst v63  }
0x4e: {  	s30 =	simm.s32 $0x13D00  }
0x4f: {  	[tilespmem:s30], [sflag:$0x2] =	stream.indirect.gather [hbm4b:s7+s20], $0x1, s21, s20, $0xb8;
	[tilespmem:$0x15680] =	vst v63  }
0x50: {  	s21 =	simm.s32 $0x13580  }
0x51: {  	[tilespmem:s21], [sflag:$0x1] =	stream.indirect.gather [hbm4b:s10+s20], $0x1, s19, s20, $0xb8;
	[tilespmem:$0x15680] =	vst v63  }
0x52: {  	s31 =	simm.s32 $0x13980  }
0x53: {  	[tilespmem:s31], [sflag:$0x2] =	stream.indirect.gather [hbm4b:s8+s20], $0x1, s19, s20, $0xb8;
	[tilespmem:$0x15680] =	vst v63  }
0x54: {  	s26 =	simm.s32 $0x13D80  }
0x55: {  	[tilespmem:s26], [sflag:$0x2] =	stream.indirect.gather [hbm4b:s7+s20], $0x1, s19, s20, $0xb8;
	[tilespmem:$0x15680] =	vst v63  }
0x56: {  	s19 =	simm.s32 $0x13600  }
0x57: {  	[tilespmem:s19], [sflag:$0x1] =	stream.indirect.gather [hbm4b:s10+s20], $0x1, s18, s20, $0xb8;
	[tilespmem:$0x15680] =	vst v63  }
0x58: {  	s28 =	simm.s32 $0x13A00  }
0x59: {  	[tilespmem:s28], [sflag:$0x2] =	stream.indirect.gather [hbm4b:s8+s20], $0x1, s18, s20, $0xb8;
	[tilespmem:$0x15680] =	vst v63  }
0x5a: {  	s29 =	simm.s32 $0x13E00  }
0x5b: {  	[tilespmem:s29], [sflag:$0x2] =	stream.indirect.gather [hbm4b:s7+s20], $0x1, s18, s20, $0xb8;
	[tilespmem:$0x15680] =	vst v63  }
0x5c: {  	s18 =	simm.s32 $0x13680  }
0x5d: {  	[tilespmem:s18], [sflag:$0x1] =	stream.indirect.gather [hbm4b:s10+s20], $0x1, s17, s20, $0xb8;
	[tilespmem:$0x15680] =	vst v63  }
0x5e: {  	s30 =	simm.s32 $0x13A80  }
0x5f: {  	[tilespmem:s30], [sflag:$0x2] =	stream.indirect.gather [hbm4b:s8+s20], $0x1, s17, s20, $0xb8;
	[tilespmem:$0x15680] =	vst v63  }
0x60: {  	s31 =	simm.s32 $0x13E80  }
0x61: {  	[tilespmem:s31], [sflag:$0x2] =	stream.indirect.gather [hbm4b:s7+s20], $0x1, s17, s20, $0xb8;
	[tilespmem:$0x15680] =	vst v63  }
0x62: {  	s17 =	simm.s32 $0x13700  }
0x63: {  	[tilespmem:s17], [sflag:$0x1] =	stream.indirect.gather [hbm4b:s10+s20], $0x1, s16, s20, $0xb8;
	[tilespmem:$0x15680] =	vst v63  }
0x64: {  	s26 =	simm.s32 $0x13B00  }
0x65: {  	[tilespmem:s26], [sflag:$0x2] =	stream.indirect.gather [hbm4b:s8+s20], $0x1, s16, s20, $0xb8;
	[tilespmem:$0x15680] =	vst v63  }
0x66: {  	s28 =	simm.s32 $0x13F00  }
0x67: {  	[tilespmem:s28], [sflag:$0x2] =	stream.indirect.gather [hbm4b:s7+s20], $0x1, s16, s20, $0xb8;
	[tilespmem:$0x15680] =	vst v63  }
0x68: {  	s16 =	simm.s32 $0x13780  }
0x69: {  	[tilespmem:s16], [sflag:$0x1] =	stream.indirect.gather [hbm4b:s10+s20], $0x1, s15, s20, $0xb8;
	[tilespmem:$0x15680] =	vst v63  }
0x6a: {  	s29 =	simm.s32 $0x13B80  }
0x6b: {  	[tilespmem:s29], [sflag:$0x2] =	stream.indirect.gather [hbm4b:s8+s20], $0x1, s15, s20, $0xb8;
	[tilespmem:$0x15680] =	vst v63  }
0x6c: {  	s30 =	simm.s32 $0x13F80  }
0x6d: {  	[tilespmem:s30], [sflag:$0x2] =	stream.indirect.gather [hbm4b:s7+s20], $0x1, s15, s20, $0xb8;
	[tilespmem:$0x15680] =	vst v63  }
0x6e: {  	s15 =	simm.s32 $0x13800  }
0x6f: {  	[tilespmem:s15], [sflag:$0x1] =	stream.indirect.gather [hbm4b:s10+s20], $0x1, s13, s20, $0xb8;
	[tilespmem:$0x15680] =	vst v63  }
0x70: {  	s31 =	simm.s32 $0x13C00  }
0x71: {  	[tilespmem:s31], [sflag:$0x2] =	stream.indirect.gather [hbm4b:s8+s20], $0x1, s13, s20, $0xb8;
	[tilespmem:$0x15680] =	vst v63  }
0x72: {  	s10 =	simm.s32 $0x14000  }
0x73: {  	[tilespmem:s10], [sflag:$0x2] =	stream.indirect.gather [hbm4b:s7+s20], $0x1, s13, s20, $0xb8;
	[tilespmem:$0x15680] =	vst v63  }
0x74: {  	s25 =	simm.s32 $0x14880  }
0x75: {  	[tilespmem:s25], [sflag:$0x3] =	stream.linear.gather [hbm4b:s11+s24], $0x400, $0x38;
	[tilespmem:$0x15680] =	vst v63  }
0x76: {  	s26 =	simm.s32 $0x14C80  }
0x77: {  	[tilespmem:s26], [sflag:$0x3] =	stream.linear.gather [hbm4b:s12+s24], $0x400, $0x38;
	[tilespmem:$0x15680] =	vst v63  }
0x78: {  	s28 =	simm.s32 $0x15080  }
0x79: {  	[tilespmem:s28], [sflag:$0x3] =	stream.linear.gather [hbm4b:s14+s24], $0x400, $0x38;
	[tilespmem:$0x15680] =	vst v63  }
0x7a: {  	s29 =	simm.s32 $0x15480;
	s30 =	simm.s32 $0x1  }
0x7b: {  	[tilespmem:s29], [sflag:$0x3] =	stream.linear.gather [hbm4b:s9+s24], $0x80, $0x38;
	[tilespmem:$0x15680] =	vst v63  }
0x7c: {  	_ =	swait.ge [sflag:s30], $0x80  }
0x7d: {  	[sflag:s30] =	ssyncset.done $0x0  }
0x7e: {  	[sflag:s30] =	ssyncadd.s32 $0xFFFFFF80  }
0x7f: {  	_ =	swait.ge [sflag:s30], $0x80  }
0x80: {  	[sflag:s30] =	ssyncset.done $0x0  }
0x81: {  	[sflag:s30] =	ssyncadd.s32 $0xFFFFFF80  }
0x82: {  	_ =	swait.ge [sflag:s30], $0x80  }
0x83: {  	[sflag:s30] =	ssyncset.done $0x0  }
0x84: {  	[sflag:s30] =	ssyncadd.s32 $0xFFFFFF80  }
0x85: {  	_ =	swait.ge [sflag:s30], $0x80  }
0x86: {  	[sflag:s30] =	ssyncset.done $0x0  }
0x87: {  	[sflag:s30] =	ssyncadd.s32 $0xFFFFFF80  }
0x88: {  	_ =	swait.ge [sflag:s30], $0x80  }
0x89: {  	[sflag:s30] =	ssyncset.done $0x0  }
0x8a: {  	[sflag:s30] =	ssyncadd.s32 $0xFFFFFF80  }
0x8b: {  	_ =	swait.ge [sflag:s30], $0x80  }
0x8c: {  	[sflag:s30] =	ssyncset.done $0x0  }
0x8d: {  	[sflag:s30] =	ssyncadd.s32 $0xFFFFFF80  }
0x8e: {  	_ =	swait.ge [sflag:s30], $0x80  }
0x8f: {  	[sflag:s30] =	ssyncset.done $0x0  }
0x90: {  	[sflag:s30] =	ssyncadd.s32 $0xFFFFFF80  }
0x91: {  	_ =	swait.ge [sflag:s30], $0x80  }
0x92: {  	[sflag:s30] =	ssyncset.done $0x0  }
0x93: {  	s31 =	simm.s32 $0x14080;
	[sflag:s30] =	ssyncadd.s32 $0xFFFFFF80  }
0x94: {  	[tilespmem:s31], [sflag:$0x4] =	stream.indirect.gather [hbm4b:s6+s20], $0x1, s23, s20, $0xb8;
	[tilespmem:$0x15680] =	vst v63  }
0x95: {  	s8 =	simm.s32 $0x14480  }
0x96: {  	[tilespmem:s8], [sflag:$0x4] =	stream.indirect.gather [hbm4b:s5+s20], $0x1, s23, s20, $0xb8;
	[tilespmem:$0x15680] =	vst v63  }
0x97: {  	s9 =	simm.s32 $0x14100  }
0x98: {  	[tilespmem:s9], [sflag:$0x4] =	stream.indirect.gather [hbm4b:s6+s20], $0x1, s22, s20, $0xb8;
	[tilespmem:$0x15680] =	vst v63  }
0x99: {  	s10 =	simm.s32 $0x14500  }
0x9a: {  	[tilespmem:s10], [sflag:$0x4] =	stream.indirect.gather [hbm4b:s5+s20], $0x1, s22, s20, $0xb8;
	[tilespmem:$0x15680] =	vst v63  }
0x9b: {  	s11 =	simm.s32 $0x14180  }
0x9c: {  	[tilespmem:s11], [sflag:$0x4] =	stream.indirect.gather [hbm4b:s6+s20], $0x1, s21, s20, $0xb8;
	[tilespmem:$0x15680] =	vst v63  }
0x9d: {  	s12 =	simm.s32 $0x14580  }
0x9e: {  	[tilespmem:s12], [sflag:$0x4] =	stream.indirect.gather [hbm4b:s5+s20], $0x1, s21, s20, $0xb8;
	[tilespmem:$0x15680] =	vst v63  }
0x9f: {  	s13 =	simm.s32 $0x14200  }
0xa0: {  	[tilespmem:s13], [sflag:$0x4] =	stream.indirect.gather [hbm4b:s6+s20], $0x1, s19, s20, $0xb8;
	[tilespmem:$0x15680] =	vst v63  }
0xa1: {  	s14 =	simm.s32 $0x14600  }
0xa2: {  	[tilespmem:s14], [sflag:$0x4] =	stream.indirect.gather [hbm4b:s5+s20], $0x1, s19, s20, $0xb8;
	[tilespmem:$0x15680] =	vst v63  }
0xa3: {  	s19 =	simm.s32 $0x14280  }
0xa4: {  	[tilespmem:s19], [sflag:$0x4] =	stream.indirect.gather [hbm4b:s6+s20], $0x1, s18, s20, $0xb8;
	[tilespmem:$0x15680] =	vst v63  }
0xa5: {  	s21 =	simm.s32 $0x14680  }
0xa6: {  	[tilespmem:s21], [sflag:$0x4] =	stream.indirect.gather [hbm4b:s5+s20], $0x1, s18, s20, $0xb8;
	[tilespmem:$0x15680] =	vst v63  }
0xa7: {  	s22 =	simm.s32 $0x14300  }
0xa8: {  	[tilespmem:s22], [sflag:$0x4] =	stream.indirect.gather [hbm4b:s6+s20], $0x1, s17, s20, $0xb8;
	[tilespmem:$0x15680] =	vst v63  }
0xa9: {  	s23 =	simm.s32 $0x14700  }
0xaa: {  	[tilespmem:s23], [sflag:$0x4] =	stream.indirect.gather [hbm4b:s5+s20], $0x1, s17, s20, $0xb8;
	[tilespmem:$0x15680] =	vst v63  }
0xab: {  	s24 =	simm.s32 $0x14380  }
0xac: {  	[tilespmem:s24], [sflag:$0x4] =	stream.indirect.gather [hbm4b:s6+s20], $0x1, s16, s20, $0xb8;
	[tilespmem:$0x15680] =	vst v63  }
0xad: {  	s25 =	simm.s32 $0x14780  }
0xae: {  	[tilespmem:s25], [sflag:$0x4] =	stream.indirect.gather [hbm4b:s5+s20], $0x1, s16, s20, $0xb8;
	[tilespmem:$0x15680] =	vst v63  }
0xaf: {  	s26 =	simm.s32 $0x14400  }
0xb0: {  	[tilespmem:s26], [sflag:$0x4] =	stream.indirect.gather [hbm4b:s6+s20], $0x1, s15, s20, $0xb8;
	[tilespmem:$0x15680] =	vst v63  }
0xb1: {  	s28 =	simm.s32 $0x14800;
	s29 =	simm.s32 $0x2  }
0xb2: {  	[tilespmem:s28], [sflag:$0x4] =	stream.indirect.gather [hbm4b:s5+s20], $0x1, s15, s20, $0xb8;
	[tilespmem:$0x15680] =	vst v63  }
0xb3: {  	_ =	swait.ge [sflag:s29], $0x80  }
0xb4: {  	[sflag:s29] =	ssyncset.done $0x0  }
0xb5: {  	[sflag:s29] =	ssyncadd.s32 $0xFFFFFF80  }
0xb6: {  	_ =	swait.ge [sflag:s29], $0x80  }
0xb7: {  	[sflag:s29] =	ssyncset.done $0x0  }
0xb8: {  	[sflag:s29] =	ssyncadd.s32 $0xFFFFFF80  }
0xb9: {  	_ =	swait.ge [sflag:s29], $0x80  }
0xba: {  	[sflag:s29] =	ssyncset.done $0x0  }
0xbb: {  	[sflag:s29] =	ssyncadd.s32 $0xFFFFFF80  }
0xbc: {  	_ =	swait.ge [sflag:s29], $0x80  }
0xbd: {  	[sflag:s29] =	ssyncset.done $0x0  }
0xbe: {  	[sflag:s29] =	ssyncadd.s32 $0xFFFFFF80  }
0xbf: {  	_ =	swait.ge [sflag:s29], $0x80  }
0xc0: {  	[sflag:s29] =	ssyncset.done $0x0  }
0xc1: {  	[sflag:s29] =	ssyncadd.s32 $0xFFFFFF80  }
0xc2: {  	_ =	swait.ge [sflag:s29], $0x80  }
0xc3: {  	[sflag:s29] =	ssyncset.done $0x0  }
0xc4: {  	[sflag:s29] =	ssyncadd.s32 $0xFFFFFF80  }
0xc5: {  	_ =	swait.ge [sflag:s29], $0x80  }
0xc6: {  	[sflag:s29] =	ssyncset.done $0x0  }
0xc7: {  	[sflag:s29] =	ssyncadd.s32 $0xFFFFFF80  }
0xc8: {  	_ =	swait.ge [sflag:s29], $0x80  }
0xc9: {  	[sflag:s29] =	ssyncset.done $0x0  }
0xca: {  	[sflag:s29] =	ssyncadd.s32 $0xFFFFFF80  }
0xcb: {  	_ =	swait.ge [sflag:s29], $0x80  }
0xcc: {  	[sflag:s29] =	ssyncset.done $0x0  }
0xcd: {  	[sflag:s29] =	ssyncadd.s32 $0xFFFFFF80  }
0xce: {  	_ =	swait.ge [sflag:s29], $0x80  }
0xcf: {  	[sflag:s29] =	ssyncset.done $0x0  }
0xd0: {  	[sflag:s29] =	ssyncadd.s32 $0xFFFFFF80  }
0xd1: {  	_ =	swait.ge [sflag:s29], $0x80  }
0xd2: {  	[sflag:s29] =	ssyncset.done $0x0  }
0xd3: {  	[sflag:s29] =	ssyncadd.s32 $0xFFFFFF80  }
0xd4: {  	_ =	swait.ge [sflag:s29], $0x80  }
0xd5: {  	[sflag:s29] =	ssyncset.done $0x0  }
0xd6: {  	[sflag:s29] =	ssyncadd.s32 $0xFFFFFF80  }
0xd7: {  	_ =	swait.ge [sflag:s29], $0x80  }
0xd8: {  	[sflag:s29] =	ssyncset.done $0x0  }
0xd9: {  	[sflag:s29] =	ssyncadd.s32 $0xFFFFFF80  }
0xda: {  	_ =	swait.ge [sflag:s29], $0x80  }
0xdb: {  	[sflag:s29] =	ssyncset.done $0x0  }
0xdc: {  	[sflag:s29] =	ssyncadd.s32 $0xFFFFFF80  }
0xdd: {  	_ =	swait.ge [sflag:s29], $0x80  }
0xde: {  	[sflag:s29] =	ssyncset.done $0x0  }
0xdf: {  	[sflag:s29] =	ssyncadd.s32 $0xFFFFFF80  }
0xe0: {  	_ =	swait.ge [sflag:s29], $0x80  }
0xe1: {  	[sflag:s29] =	ssyncset.done $0x0  }
0xe2: {  	s30 =	simm.s32 $0x3;
	[sflag:s29] =	ssyncadd.s32 $0xFFFFFF80  }
0xe3: {  	_ =	swait.ge [sflag:s30], $0x400  }
0xe4: {  	[sflag:s30] =	ssyncset.done $0x0  }
0xe5: {  	[sflag:s30] =	ssyncadd.s32 $0xFFFFFC00  }
0xe6: {  	_ =	swait.ge [sflag:s30], $0x400  }
0xe7: {  	[sflag:s30] =	ssyncset.done $0x0  }
0xe8: {  	[sflag:s30] =	ssyncadd.s32 $0xFFFFFC00  }
0xe9: {  	_ =	swait.ge [sflag:s30], $0x400  }
0xea: {  	[sflag:s30] =	ssyncset.done $0x0  }
0xeb: {  	[sflag:s30] =	ssyncadd.s32 $0xFFFFFC00  }
0xec: {  	_ =	swait.ge [sflag:s30], $0x80  }
0xed: {  	[sflag:s30] =	ssyncset.done $0x0  }
0xee: {  	s31 =	simm.s32 $0x4;
	[sflag:s30] =	ssyncadd.s32 $0xFFFFFF80  }
0xef: {  	_ =	swait.ge [sflag:s31], $0x80  }
0xf0: {  	[sflag:s31] =	ssyncset.done $0x0  }
0xf1: {  	[sflag:s31] =	ssyncadd.s32 $0xFFFFFF80  }
0xf2: {  	_ =	swait.ge [sflag:s31], $0x80  }
0xf3: {  	[sflag:s31] =	ssyncset.done $0x0  }
0xf4: {  	[sflag:s31] =	ssyncadd.s32 $0xFFFFFF80  }
0xf5: {  	_ =	swait.ge [sflag:s31], $0x80  }
0xf6: {  	[sflag:s31] =	ssyncset.done $0x0  }
0xf7: {  	[sflag:s31] =	ssyncadd.s32 $0xFFFFFF80  }
0xf8: {  	_ =	swait.ge [sflag:s31], $0x80  }
0xf9: {  	[sflag:s31] =	ssyncset.done $0x0  }
0xfa: {  	[sflag:s31] =	ssyncadd.s32 $0xFFFFFF80  }
0xfb: {  	_ =	swait.ge [sflag:s31], $0x80  }
0xfc: {  	[sflag:s31] =	ssyncset.done $0x0  }
0xfd: {  	[sflag:s31] =	ssyncadd.s32 $0xFFFFFF80  }
0xfe: {  	_ =	swait.ge [sflag:s31], $0x80  }
0xff: {  	[sflag:s31] =	ssyncset.done $0x0  }
0x100: {  	[sflag:s31] =	ssyncadd.s32 $0xFFFFFF80  }
0x101: {  	_ =	swait.ge [sflag:s31], $0x80  }
0x102: {  	[sflag:s31] =	ssyncset.done $0x0  }
0x103: {  	[sflag:s31] =	ssyncadd.s32 $0xFFFFFF80  }
0x104: {  	_ =	swait.ge [sflag:s31], $0x80  }
0x105: {  	[sflag:s31] =	ssyncset.done $0x0  }
0x106: {  	[sflag:s31] =	ssyncadd.s32 $0xFFFFFF80  }
0x107: {  	_ =	swait.ge [sflag:s31], $0x80  }
0x108: {  	[sflag:s31] =	ssyncset.done $0x0  }
0x109: {  	[sflag:s31] =	ssyncadd.s32 $0xFFFFFF80  }
0x10a: {  	_ =	swait.ge [sflag:s31], $0x80  }
0x10b: {  	[sflag:s31] =	ssyncset.done $0x0  }
0x10c: {  	[sflag:s31] =	ssyncadd.s32 $0xFFFFFF80  }
0x10d: {  	_ =	swait.ge [sflag:s31], $0x80  }
0x10e: {  	[sflag:s31] =	ssyncset.done $0x0  }
0x10f: {  	[sflag:s31] =	ssyncadd.s32 $0xFFFFFF80  }
0x110: {  	_ =	swait.ge [sflag:s31], $0x80  }
0x111: {  	[sflag:s31] =	ssyncset.done $0x0  }
0x112: {  	[sflag:s31] =	ssyncadd.s32 $0xFFFFFF80  }
0x113: {  	_ =	swait.ge [sflag:s31], $0x80  }
0x114: {  	[sflag:s31] =	ssyncset.done $0x0  }
0x115: {  	[sflag:s31] =	ssyncadd.s32 $0xFFFFFF80  }
0x116: {  	_ =	swait.ge [sflag:s31], $0x80  }
0x117: {  	[sflag:s31] =	ssyncset.done $0x0  }
0x118: {  	[sflag:s31] =	ssyncadd.s32 $0xFFFFFF80  }
0x119: {  	_ =	swait.ge [sflag:s31], $0x80  }
0x11a: {  	[sflag:s31] =	ssyncset.done $0x0  }
0x11b: {  	[sflag:s31] =	ssyncadd.s32 $0xFFFFFF80  }
0x11c: {  	_ =	swait.ge [sflag:s31], $0x80  }
0x11d: {  	[sflag:s31] =	ssyncset.done $0x0  }
0x11e: {  	s8 =	simm.s32 $0x0;
	[sflag:s31] =	ssyncadd.s32 $0xFFFFFF80  }
0x11f: {  	v0 =	vld [tilespmem:s8+$0x13C80]  }
0x120: {  	v1 =	vld [tilespmem:s8+$0x14480];
	_ =	sdelay $0x4  }
0x121: {  	v0 =	vmul.f32 $1.000000010e-01, v0;
	v1 =	vmul.f32 $8.999999760e-01, v1;
	_ =	sdelay $0x1  }
0x122: {  	v0 =	vadd.f32 v1, v0;
	_ =	sdelay $0x1  }
0x123: {  	v0 =	vmax.f32 v0, $9.999999930e-09  }
0x124: {  	v1 =	vld [tilespmem:s8+$0x13880];
	(erf) = vrcp.f32 v0  }
0x125: {  	v0 =	vld [tilespmem:s8+$0x14080];
	_ =	sdelay $0x1  }
0x126: {  	s6 =	simm.s32 $0x10  }
0x127: {  	v2 =	vld [tilespmem:s6+$0x13C80]  }
0x128: {  	v3 =	vld [tilespmem:s6+$0x14480]  }
0x129: {  	v1 =	vmul.f32 $1.000000010e-01, v1;
	v0 =	vmul.f32 $8.999999760e-01, v0;
	_ =	sdelay $0x1  }
0x12a: {  	v0 =	vadd.f32 v0, v1  }
0x12b: {  	v1 =	vmul.f32 $1.000000010e-01, v2;
	v10 =	vpop (erf)  }
0x12c: {  	v2 =	vmul.f32 $8.999999760e-01, v3;
	v5 =	vmul.f32 v10, v0;
	_ =	sdelay $0x1  }
0x12d: {  	v0 =	vadd.f32 v2, v1;
	v1 =	vsub.f32 $0.0e+00, v5;
	_ =	sdelay $0x1  }
0x12e: {  	v0 =	vmax.f32 v0, $9.999999930e-09;
	v1 =	vmul.f32 $1.442695020e+00, v1  }
0x12f: {  	(erf) = vrcp.f32 v0  }
0x130: {  	v0 =	vld [tilespmem:s6+$0x13880];
	(erf) = vpow2.f32 v1  }
0x131: {  	v1 =	vld [tilespmem:s6+$0x14080];
	_ =	sdelay $0x1  }
0x132: {  	s5 =	simm.s32 $0x20  }
0x133: {  	v2 =	vld [tilespmem:s5+$0x13C80]  }
0x134: {  	v4 =	vld [tilespmem:s5+$0x14480]  }
0x135: {  	v0 =	vmul.f32 $1.000000010e-01, v0;
	v1 =	vmul.f32 $8.999999760e-01, v1;
	_ =	sdelay $0x1  }
0x136: {  	v3 =	vpop (erf);
	v0 =	vadd.f32 v1, v0  }
0x137: {  	v2 =	vmul.f32 $1.000000010e-01, v2;
	v6 =	vpop (erf)  }
0x138: {  	v1 =	vadd.f32 $1.000000000e+00, v6;
	v6 =	vmul.f32 $8.999999760e-01, v4;
	v4 =	vmul.f32 v3, v0;
	_ =	sdelay $0x1  }
0x139: {  	(erf) = vrcp.f32 v1;
	v0 =	vadd.f32 v6, v2;
	v1 =	vsub.f32 $0.0e+00, v4  }
0x13a: {  	v8 =	vld [tilespmem:s5+$0x13880]  }
0x13b: {  	v14 =	vld [tilespmem:s8+$0x14880];
	v0 =	vmax.f32 v0, $9.999999930e-09;
	v9 =	vmul.f32 $1.442695020e+00, v1  }
0x13c: {  	v15 =	vld [tilespmem:s8+$0x14C80];
	(erf) = vrcp.f32 v0  }
0x13d: {  	s7 =	simm.s32 $0x30;
	v6 =	vld [tilespmem:s5+$0x14080];
	(erf) = vpow2.f32 v9  }
0x13e: {  	v19 =	vld [tilespmem:s7+$0x13C80]  }
0x13f: {  	v7 =	vimm.f32 $0.0e+00;
	v13 =	vimm.f32 $0.0e+00;
	v12 =	vimm.f32 $0.0e+00;
	v2 =	vld [tilespmem:$0x15480]  }
0x140: {  	v11 =	vimm.f32 $0.0e+00;
	v20 =	vmul.f32 $1.000000010e-01, v8;
	v8 =	vimm.f32 $0.0e+00;
	v1 =	vld [tilespmem:$0x15490]  }
0x141: {  	v18 =	vld [tilespmem:s7+$0x14480];
	v17 =	vmul.f32 v5, v10;
	v5 =	vimm.f32 $0.0e+00;
	v0 =	vimm.s32 $0x0  }
0x142: {  	s9 =	simm.s32 $0x100;
	v9 =	vimm.f32 $0.0e+00;
	v21 =	vmul.f32 $8.999999760e-01, v6;
	v6 =	vimm.f32 $0.0e+00;
	v16 =	vpop (erf)  }
.LBB2_7:
0x143: {  	p0 =	sne.s32 s9, $0xFC0;
	v22 =	vld [tilespmem:s8+$0x15080];
	v23 =	vsub.f32 $1.000000000e+00, v16;
	v14 =	vmul.f32 v10, v14;
	v15 =	vmul.f32 v17, v15;
	v10 =	vmovc v3;
	s8 =	smov.u32 s6;
	s6 =	smov.u32 s5  }
0x144: {  	s5 =	smov.u32 s7;
	v17 =	vmul.f32 $1.000000010e-01, v19;
	v19 =	vadd.f32 v21, v20;
	v20 =	vsub.f32 v16, v2  }
0x145: {  	v3 =	vpop (erf);
	v21 =	vmul.f32 v23, v16;
	v14 =	vsub.f32 v14, v15;
	v16 =	vsub.f32 v16, v1  }
0x146: {  	v15 =	vmul.f32 $8.999999760e-01, v18;
	v23 =	vmul.f32 v3, v19;
	v18 =	vpop (erf);
	v19 =	vadd.f32 v20, v20  }
0x147: {  	v18 =	vadd.f32 $1.000000000e+00, v18;
	v21 =	vmul.f32 v21, v14;
	v14 =	vadd.f32 v16, v16  }
0x148: {  	v15 =	vadd.f32 v15, v17;
	vm0 =	veq.s32 v22, $0x1;
	vm1 =	veq.s32 v22, $0x0  }
0x149: {  	v17 =	vsub.f32 $0.0e+00, v23;
	(erf) = vrcp.f32 v18;
	v18 =	vmul.f32 v21, v14  }
0x14a: {  	v22 =	vsel vm0, $0x3F800000, v0;
	v24 =	vsel vm1, $0x3F800000, v0;
	v19 =	vmul.f32 v21, v19  }
0x14b: {  	v15 =	vmax.f32 v15, $9.999999930e-09;
	v17 =	vmul.f32 $1.442695020e+00, v17;
	v14 =	vld [tilespmem:s8+$0x14880];
	v18 =	vmul.f32 v24, v18  }
0x14c: {  	v7 =	vadd.f32 v22, v7;
	v26 =	vmul.f32 v22, v20;
	v25 =	vld [tilespmem:s5+$0x13880];
	(erf) = vrcp.f32 v15  }
0x14d: {  	v27 =	vld [tilespmem:s5+$0x14080];
	(erf) = vpow2.f32 v17;
	v13 =	vadd.f32 v18, v13;
	v17 =	vmul.f32 v24, v16  }
.Ltmp4:
0x14e: {  	s7 =	sshra.s32 s9, $0x2;
	v12 =	vadd.f32 v24, v12;
	v18 =	vmul.f32 v22, v19;
	v24 =	vmul.f32 v24, v21;
	v15 =	vld [tilespmem:s8+$0x14C80];
	(pc) =	sbr.rel @p0 .LBB2_7-.Ltmp4, $4  }
0x14f: {  	v20 =	vmul.f32 v26, v20;
	v21 =	vmul.f32 v22, v21;
	v19 =	vld [tilespmem:s7+$0x13C80]  }
0x150: {  	v11 =	vadd.f32 v18, v11;
	v6 =	vadd.f32 v24, v6;
	v22 =	vmul.f32 v17, v16  }
0x151: {  	v9 =	vadd.f32 v20, v9;
	v17 =	vmul.f32 v4, v10;
	v8 =	vadd.f32 v21, v8;
	v4 =	vmovc v23;
	v18 =	vld [tilespmem:s7+$0x14480]  }
0x152: {  	s9 =	sadd.s32 $0x40, s9;
	v20 =	vmul.f32 $1.000000010e-01, v25;
	v5 =	vadd.f32 v22, v5;
	v21 =	vmul.f32 $8.999999760e-01, v27;
	v16 =	vpop (erf)  }
0x153: {  	_ =	sdelay $0x2  }
0x154: {  	v19 =	vmul.f32 $1.000000010e-01, v19;
	v20 =	vadd.f32 v21, v20;
	v21 =	vpop (erf);
	v18 =	vmul.f32 $8.999999760e-01, v18  }
0x155: {  	v22 =	vpop (erf)  }
0x156: {  	v20 =	vmul.f32 v21, v20;
	v22 =	vadd.f32 $1.000000000e+00, v22;
	v18 =	vadd.f32 v18, v19;
	_ =	sdelay $0x1  }
0x157: {  	v50 =	vsub.f32 $0.0e+00, v20;
	(erf) = vrcp.f32 v22;
	v18 =	vmax.f32 v18, $9.999999930e-09  }
0x158: {  	v51 =	vld [tilespmem:s7+$0x13880];
	(erf) = vrcp.f32 v18  }
0x159: {  	v53 =	vld [tilespmem:s7+$0x14080];
	v52 =	vmul.f32 $1.442695020e+00, v50;
	_ =	sdelay $0x1  }
0x15a: {  	(erf) = vpow2.f32 v52;
	_ =	sdelay $0x2  }
0x15b: {  	v54 =	vmul.f32 $1.000000010e-01, v51;
	v19 =	vmul.f32 $8.999999760e-01, v53;
	_ =	sdelay $0x1  }
0x15c: {  	v18 =	vadd.f32 v19, v54;
	v58 =	vpop (erf)  }
0x15d: {  	v10 =	vmul.f32 v10, v14;
	v57 =	vld [tilespmem:s8+$0x15080];
	v61 =	vpop (erf)  }
0x15e: {  	v55 =	vsub.f32 $1.000000000e+00, v16;
	v56 =	vmul.f32 v17, v15;
	v25 =	vld [tilespmem:s6+$0x14880];
	v18 =	vmul.f32 v61, v18  }
0x15f: {  	v60 =	vsub.f32 v16, v1;
	v63 =	vsub.f32 v16, v2;
	v29 =	vld [tilespmem:s6+$0x14C80]  }
0x160: {  	v41 =	vld [tilespmem:s5+$0x14880];
	v59 =	vmul.f32 v55, v16;
	v10 =	vsub.f32 v10, v56;
	v23 =	vpop (erf);
	v24 =	vsub.f32 $0.0e+00, v18  }
0x161: {  	v4 =	vmul.f32 v4, v3;
	v35 =	vld [tilespmem:s6+$0x15080];
	v62 =	vadd.f32 v60, v60;
	v23 =	vadd.f32 $1.000000000e+00, v23  }
0x162: {  	v26 =	vadd.f32 v63, v63;
	v10 =	vmul.f32 v59, v10;
	v24 =	vmul.f32 $1.442695020e+00, v24  }
0x163: {  	vm0 =	veq.s32 v57, $0x0;
	v32 =	vmul.f32 v3, v25;
	(erf) = vrcp.f32 v23  }
0x164: {  	v44 =	vld [tilespmem:s5+$0x14C80];
	vm1 =	veq.s32 v57, $0x1;
	v4 =	vmul.f32 v4, v29;
	(erf) = vpow2.f32 v24  }
0x165: {  	v49 =	vld [tilespmem:s5+$0x15080];
	v20 =	vmul.f32 v20, v21;
	v17 =	vmul.f32 v21, v41;
	v28 =	vsel vm0, $0x3F800000, v0  }
0x166: {  	v30 =	vsel vm1, $0x3F800000, v0;
	v26 =	vmul.f32 v10, v26;
	vm0 =	veq.s32 v35, $0x0  }
0x167: {  	vm1 =	veq.s32 v35, $0x1;
	v31 =	vmul.f32 v30, v63;
	v7 =	vadd.f32 v30, v7  }
0x168: {  	v33 =	vmul.f32 v28, v60;
	v12 =	vadd.f32 v28, v12;
	v15 =	vmul.f32 v28, v10  }
0x169: {  	v3 =	vsub.f32 v32, v4;
	v43 =	vsel vm0, $0x3F800000, v0;
	v45 =	vsel vm1, $0x3F800000, v0  }
0x16a: {  	v20 =	vmul.f32 v20, v44;
	vm0 =	veq.s32 v49, $0x1;
	vm1 =	veq.s32 v49, $0x0  }
0x16b: {  	v19 =	vmul.f32 v10, v62;
	v26 =	vmul.f32 v30, v26;
	v6 =	vadd.f32 v15, v6  }
0x16c: {  	v16 =	vmul.f32 v31, v63;
	v7 =	vadd.f32 v45, v7;
	v12 =	vadd.f32 v43, v12;
	v38 =	vpop (erf)  }
0x16d: {  	v10 =	vmul.f32 v30, v10;
	v17 =	vsub.f32 v17, v20;
	v11 =	vadd.f32 v26, v11;
	v40 =	vpop (erf)  }
0x16e: {  	v51 =	vld [tilespmem:s7+$0x14880];
	v14 =	vmul.f32 v33, v60;
	v9 =	vadd.f32 v16, v9;
	v16 =	vadd.f32 $1.000000000e+00, v40  }
0x16f: {  	v19 =	vmul.f32 v28, v19;
	v8 =	vadd.f32 v10, v8;
	v39 =	vsub.f32 v58, v2  }
0x170: {  	v57 =	vld [tilespmem:s7+$0x15080];
	v26 =	vsel vm1, $0x3F800000, v0;
	v36 =	vsub.f32 v58, v1;
	(erf) = vrcp.f32 v16  }
0x171: {  	v53 =	vld [tilespmem:s7+$0x14C80];
	v5 =	vadd.f32 v14, v5;
	v12 =	vadd.f32 v26, v12;
	v47 =	vmul.f32 v45, v39  }
0x172: {  	v13 =	vadd.f32 v19, v13;
	v34 =	vsub.f32 $1.000000000e+00, v58;
	v48 =	vmul.f32 v43, v36  }
0x173: {  	v37 =	vadd.f32 v36, v36;
	v22 =	vmul.f32 v61, v51;
	v14 =	vmul.f32 v47, v39  }
0x174: {  	v42 =	vadd.f32 v39, v39;
	v18 =	vmul.f32 v18, v61;
	v4 =	vmul.f32 v48, v36  }
0x175: {  	v23 =	vmul.f32 v34, v58;
	v58 =	vsel vm0, $0x3F800000, v0;
	vm0 =	veq.s32 v57, $0x1  }
0x176: {  	v18 =	vmul.f32 v18, v53;
	v7 =	vadd.f32 v58, v7;
	v28 =	vsel vm0, $0x3F800000, v0  }
0x177: {  	vm0 =	veq.s32 v57, $0x0;
	v3 =	vmul.f32 v23, v3;
	v50 =	vsub.f32 $1.000000000e+00, v38  }
0x178: {  	v29 =	vsel vm0, $0x3F800000, v0;
	v18 =	vsub.f32 v22, v18;
	v7 =	vadd.f32 v28, v7  }
0x179: {  	v10 =	vmul.f32 v3, v37;
	v52 =	vsub.f32 v38, v2;
	v21 =	vmul.f32 v50, v38;
	v56 =	vpop (erf)  }
0x17a: {  	v46 =	vmul.f32 v3, v42;
	v19 =	vmul.f32 v43, v3;
	v59 =	vsub.f32 $1.000000000e+00, v56  }
0x17b: {  	v15 =	vsub.f32 v38, v1;
	v54 =	vadd.f32 v52, v52;
	v17 =	vmul.f32 v21, v17  }
0x17c: {  	v6 =	vadd.f32 v19, v6;
	v60 =	vsub.f32 v56, v2;
	v25 =	vmul.f32 v59, v56  }
0x17d: {  	v55 =	vadd.f32 v15, v15;
	v16 =	vmul.f32 v45, v46;
	v19 =	vmul.f32 v17, v54  }
0x17e: {  	v61 =	vsub.f32 v56, v1;
	v62 =	vadd.f32 v60, v60;
	v18 =	vmul.f32 v25, v18  }
0x17f: {  	v10 =	vmul.f32 v43, v10;
	v20 =	vmul.f32 v17, v55;
	v11 =	vadd.f32 v16, v11  }
0x180: {  	v19 =	vmul.f32 v58, v19;
	v63 =	vadd.f32 v61, v61;
	v21 =	vmul.f32 v18, v62  }
0x181: {  	v12 =	vadd.f32 v29, v12;
	v10 =	vadd.f32 v10, v13;
	v20 =	vmul.f32 v26, v20  }
0x182: {  	(xrf2) =	vadd.scan.msk.f32 $0xffff, v7;
	v11 =	vadd.f32 v19, v11;
	v30 =	vmul.f32 v18, v63;
	v21 =	vmul.f32 v28, v21  }
0x183: {  	v9 =	vadd.f32 v14, v9;
	v3 =	vmul.f32 v45, v3;
	v32 =	vmul.f32 v26, v17  }
0x184: {  	(xrf2) =	vadd.scan.msk.f32 $0xffff, v12;
	v31 =	vadd.f32 v20, v10;
	v33 =	vmul.f32 v29, v30;
	v11 =	vadd.f32 v21, v11  }
0x185: {  	v3 =	vadd.f32 v3, v8;
	v34 =	vmul.f32 v58, v52;
	v35 =	vmul.f32 v58, v17  }
0x186: {  	v6 =	vadd.f32 v32, v6;
	v36 =	vmul.f32 v29, v18;
	v7 =	vadd.f32 v33, v31;
	(xrf2) =	vadd.scan.msk.f32 $0xffff, v11  }
0x187: {  	v37 =	vmul.f32 v26, v15;
	v38 =	vmul.f32 v34, v52;
	v3 =	vadd.f32 v35, v3  }
0x188: {  	v39 =	vmul.f32 v28, v60;
	v40 =	vmul.f32 v28, v18;
	v6 =	vadd.f32 v36, v6;
	(xrf2) =	vadd.scan.msk.f32 $0xffff, v7  }
0x189: {  	v4 =	vadd.f32 v4, v5;
	v41 =	vmul.f32 v37, v15;
	v42 =	vadd.f32 v38, v9  }
0x18a: {  	v0 =	vmul.f32 v29, v61;
	v2 =	vmul.f32 v39, v60;
	v3 =	vadd.f32 v40, v3;
	(xrf2) =	vadd.scan.msk.f32 $0xffff, v6;
	_ =	sdelay $0x1  }
0x18b: {  	v44, _, _ =	vpop (xrf2);
	v4 =	vadd.f32 v41, v4;
	v0 =	vmul.f32 v0, v61;
	v43 =	vadd.f32 v2, v42;
	(xrf2) =	vadd.scan.msk.f32 $0xffff, v3  }
0x18c: {  	v2 =	vbroadcast v44, $0xF  }
0x18d: {  	vm0 =	vmmov $0x1;
	v45, _, _ =	vpop (xrf2);
	v0 =	vadd.f32 v0, v4;
	(xrf2) =	vadd.scan.msk.f32 $0xffff, v43  }
0x18e: {  	v47 =	vbroadcast v45, $0xF;
	v46 =	vnsel vm0, $0x0, v2  }
0x18f: {  	vm1 =	vcmask $0x704;
	v1 =	vadd.f32 $0.0e+00, v46;
	v48, _, _ =	vpop (xrf2);
	(xrf2) =	vadd.scan.msk.f32 $0xffff, v0  }
0x190: {  	v49 =	vnsel vm1, $0x0, v47;
	v50 =	vbroadcast v48, $0xF  }
0x191: {  	vm2 =	vcmask $0xB08;
	v0 =	vadd.f32 v49, v1;
	v51, _, _ =	vpop (xrf2)  }
0x192: {  	v53 =	vbroadcast v51, $0xF;
	v52 =	vnsel vm2, $0x0, v50  }
0x193: {  	v54, _, _ =	vpop (xrf2);
	vm2 =	vcmask $0xF0C;
	v0 =	vadd.f32 v52, v0  }
0x194: {  	v56 =	vbroadcast v54, $0xF;
	v55 =	vnsel vm2, $0x0, v53  }
0x195: {  	v57, _, _ =	vpop (xrf2);
	vm2 =	vcmask $0x1310;
	v0 =	vadd.f32 v55, v0  }
0x196: {  	v59 =	vbroadcast v57, $0xF;
	v58 =	vnsel vm2, $0x0, v56  }
0x197: {  	v60, _, _ =	vpop (xrf2);
	vm2 =	vcmask $0x1714;
	v0 =	vadd.f32 v58, v0  }
0x198: {  	v62 =	vbroadcast v60, $0xF;
	v61 =	vnsel vm2, $0x0, v59  }
0x199: {  	vm3 =	vcmask $0x1B18;
	v0 =	vadd.f32 v61, v0;
	v63, _, _ =	vpop (xrf2)  }
0x19a: {  	v2 =	vnsel vm3, $0x0, v62;
	v1 =	vbroadcast v63, $0xF  }
0x19b: {  	vm3 =	vcmask $0x1F1C;
	v0 =	vadd.f32 v2, v0  }
0x19c: {  	v1 =	vnsel vm3, $0x0, v1  }
0x19d: {  	v0 =	vadd.f32 v1, v0;
	_ =	sdelay $0x1  }
0x19e: {  	s5 =	simm.s32 $0x0;
	s6 =	simm.s32 $0x15600;
	[tilespmem:$0x15600] =	vst v0  }
0x19f: {  	[hbm4b:s4+s5] =	stream.linear.scatter [tilespmem:s6], [sflag:$0x5], $0x10, $0x38;
	[tilespmem:$0x15680] =	vst v63  }
0x1a0: {  	p0 =	sne.s32 s2, $0x0;
	s4 =	simm.s32 $0x5  }
.Ltmp5:
0x1a1: {  	_ =	swait.ge [sflag:s4], $0x10;
	(pc) =	sbr.rel @p0 .LBB2_10-.Ltmp5, $3  }
0x1a2: {  	[sflag:s4] =	ssyncset.done $0x0  }
0x1a3: {  	[sflag:s4] =	ssyncadd.s32 $0xFFFFFFF0  }
0x1a4: {  	[bflag:$0x0] =	sbarrier.arrive $0xFFFF;
	_ =	sdelay $0x1  }
0x1a5: {  	s7 =	simm.s32 $0x15500  }
0x1a6: {  	[tilespmem:s7], [sflag:$0x5] =	stream.linear.gather [hbm4b:s3+s5], $0x100, $0x38;
	[tilespmem:$0x15680] =	vst v63  }
0x1a7: {  	_ =	swait.ge [sflag:s4], $0x100  }
0x1a8: {  	[sflag:s4] =	ssyncset.done $0x0  }
0x1a9: {  	[sflag:s4] =	ssyncadd.s32 $0xFFFFFF00  }
0x1aa: {  	v0 =	vld [tilespmem:$0x15500];
	_ =	sdelay $0x1  }
0x1ab: {  	v1 =	vld [tilespmem:$0x15510];
	_ =	sdelay $0x1  }
0x1ac: {  	v2 =	vld [tilespmem:$0x15520]  }
0x1ad: {  	v0 =	vadd.f32 $0.0e+00, v0  }
0x1ae: {  	v3 =	vld [tilespmem:$0x15530]  }
0x1af: {  	v0 =	vadd.f32 v1, v0  }
0x1b0: {  	v33 =	vld [tilespmem:$0x15540]  }
0x1b1: {  	v0 =	vadd.f32 v2, v0  }
0x1b2: {  	v34 =	vld [tilespmem:$0x15550]  }
0x1b3: {  	v0 =	vadd.f32 v3, v0  }
0x1b4: {  	v35 =	vld [tilespmem:$0x15560]  }
0x1b5: {  	v0 =	vadd.f32 v33, v0  }
0x1b6: {  	v36 =	vld [tilespmem:$0x15570]  }
0x1b7: {  	v0 =	vadd.f32 v34, v0  }
0x1b8: {  	v37 =	vld [tilespmem:$0x15580]  }
0x1b9: {  	v0 =	vadd.f32 v35, v0  }
0x1ba: {  	v38 =	vld [tilespmem:$0x15590]  }
0x1bb: {  	v0 =	vadd.f32 v36, v0  }
0x1bc: {  	v39 =	vld [tilespmem:$0x155A0]  }
0x1bd: {  	v0 =	vadd.f32 v37, v0  }
0x1be: {  	v40 =	vld [tilespmem:$0x155B0]  }
0x1bf: {  	v0 =	vadd.f32 v38, v0  }
0x1c0: {  	v41 =	vld [tilespmem:$0x155C0]  }
0x1c1: {  	v0 =	vadd.f32 v39, v0  }
0x1c2: {  	v42 =	vld [tilespmem:$0x155D0]  }
0x1c3: {  	v0 =	vadd.f32 v40, v0  }
0x1c4: {  	v43 =	vld [tilespmem:$0x155E0]  }
0x1c5: {  	v0 =	vadd.f32 v41, v0  }
0x1c6: {  	v44 =	vld [tilespmem:$0x155F0]  }
0x1c7: {  	v0 =	vadd.f32 v42, v0;
	_ =	sdelay $0x1  }
0x1c8: {  	v0 =	vadd.f32 v43, v0;
	_ =	sdelay $0x1  }
0x1c9: {  	v0 =	vadd.f32 v44, v0;
	_ =	sdelay $0x1  }
0x1ca: {  	vm3 =	vcmask $0x308;
	v45 =	vnsel vm0, $0x0, v0  }
0x1cb: {  	vm6 =	vcmask $0x70C;
	v46 =	vsel vm3, $0x0, v0;
	(xrf2) =	vadd.scan.msk.f32 $0xffff, v45  }
0x1cc: {  	vm7 =	vcmask $0xB10;
	v47 =	vsel vm6, $0x0, v0;
	(xrf2) =	vadd.scan.msk.f32 $0xffff, v46  }
0x1cd: {  	vm8 =	vcmask $0xF14;
	v49 =	vld [tilespmem:$0x154A0];
	v48 =	vsel vm7, $0x0, v0;
	(xrf2) =	vadd.scan.msk.f32 $0xffff, v47  }
0x1ce: {  	vm9 =	vcmask $0x1318;
	v50 =	vsel vm8, $0x0, v0;
	(xrf2) =	vadd.scan.msk.f32 $0xffff, v48  }
0x1cf: {  	vm10 =	vcmask $0x171C;
	v51 =	vsel vm9, $0x0, v0;
	(xrf2) =	vadd.scan.msk.f32 $0xffff, v50  }
0x1d0: {  	vm11 =	vcmask $0x1B20;
	v52 =	vsel vm10, $0x0, v0;
	(xrf2) =	vadd.scan.msk.f32 $0xffff, v51  }
0x1d1: {  	v0 =	vsel vm11, $0x0, v0;
	(xrf2) =	vadd.scan.msk.f32 $0xffff, v52  }
0x1d2: {  	v53 =	vnsel vm0, $0x0, v49;
	(xrf2) =	vadd.scan.msk.f32 $0xffff, v0  }
0x1d3: {  	(xrf2) =	vadd.scan.msk.f32 $0xffff, v53;
	_ =	sdelay $0x1  }
0x1d4: {  	v54, _, _ =	vpop (xrf2)  }
0x1d5: {  	v55, _, _ =	vpop (xrf2)  }
0x1d6: {  	v56, _, _ =	vpop (xrf2)  }
0x1d7: {  	v57, _, _ =	vpop (xrf2)  }
0x1d8: {  	v4, _, _ =	vpop (xrf2)  }
0x1d9: {  	v5, _, _ =	vpop (xrf2)  }
0x1da: {  	v6, _, _ =	vpop (xrf2)  }
0x1db: {  	(v2sf) =	vpush v4, $0xF;
	v7, _, _ =	vpop (xrf2)  }
0x1dc: {  	(v2sf) =	vpush v5, $0xF;
	v58, _, _ =	vpop (xrf2)  }
0x1dd: {  	(v2sf) =	vpush v58, $0xF;
	_ =	sdelay $0x8  }
0x1de: {  	vm12 =	vcmask $0xB04;
	v1 =	vbroadcast v55, $0xF  }
0x1df: {  	vm4 =	vcmask $0x3F14;
	vm5 =	vmor vm12, vm2;
	v0 =	vbroadcast v54, $0xF  }
0x1e0: {  	vm3 =	vmor vm12, vm4;
	v1 =	vnsel vm5, $0x3F800000, v1  }
0x1e1: {  	v0 =	vsel vm3, v1, v0  }
0x1e2: {  	(erf) = vrcp.f32 v0;
	s30 =	spop (v2sf)  }
0x1e3: {  	s31 =	spop (v2sf)  }
0x1e4: {  	v59 =	vbroadcast v7, $0xF;
	s8 =	spop (v2sf)  }
0x1e5: {  	v60 =	vbroadcast v6, $0xF;
	s9 =	ssub.f32 $0.0e+00, s8  }
0x1e6: {  	v61 =	vlaneseq.u32;
	v0 =	vnsel vm2, $0x0, v59;
	s3 =	smul.f32 s8, s30  }
0x1e7: {  	vm13 =	veq.s32 v61, $0x2;
	v0 =	vsel vm4, v0, v60;
	s7 =	smul.f32 s9, s31  }
0x1e8: {  	vm14 =	veq.s32 v61, $0x3;
	v62 =	vbroadcast v57, $0xF;
	v0 =	vsel vm13, s3, v0  }
0x1e9: {  	v2 =	vbroadcast v56, $0xF;
	v0 =	vsel vm14, s7, v0  }
0x1ea: {  	vm15 =	vcmask $0x3F04;
	v0 =	vsel vm1, v62, v0  }
0x1eb: {  	v63 =	vpop (erf);
	v0 =	vsel vm15, v0, v2  }
0x1ec: {  	v0 =	vmul.f32 v0, v63;
	_ =	sdelay $0x1  }
0x1ed: {  	(xrf2) =	vadd.scan.msk.f32 $0xffff, v0;
	_ =	sdelay $0x9  }
0x1ee: {  	v0, _, _ =	vpop (xrf2)  }
0x1ef: {  	v0 =	vbroadcast v0, $0xF;
	_ =	sdelay $0x1  }
0x1f0: {  	v0 =	vnsel vm0, $0x0, v0  }
0x1f1: {  	[tilespmem:$0x15600] =	vst v0  }
0x1f2: {  	[hbm4b:s1+s5] =	stream.linear.scatter [tilespmem:s6], [sflag:$0x5], $0x80, $0x38;
	[tilespmem:$0x15680] =	vst v63  }
0x1f3: {  	_ =	swait.ge [sflag:s4], $0x80  }
0x1f4: {  	[sflag:s4] =	ssyncset.done $0x0  }
0x1f5: {  	[sflag:s4] =	ssyncadd.s32 $0xFFFFFF80  }
.LBB2_10:
0x1f6: {  	_ =	sfence.sel $0x180000  }
0x1f7: {  	[bflag:$0x0] =	sbarrier.arrive $0xFFFF  }
0x1f8: {  	p0 =	sne.s32 s2, $0x0;
	_ =	strace $0x90000047  }
0x1f9: {  	s0 =	sadd.s32 @!p0 $0x100000, s0;
	[bflag:$0x2] =	sbarrier.arrive $0xFFFF  }
0x1fa: {  	[sflag:s0] =	ssyncadd.tile.s32 @!p0 $0x1;
	_ =	shalt  }
.Lfunc_end2:
_tile_overlayer_lowered:
.L_overlay_start_2:
0x1fb: {  	(tag) =	ssettag $0x2  }
0x1fc: {  	s0 =	rddreg [dreg:$0x0];
	s2 =	stileid.u32  }
0x1fd: {  	s1 =	rddreg [dreg:$0x1];
	p0 =	sne.s32 s2, $0x0  }
0x1fe: {  	s3 =	rddreg [dreg:$0x2];
	[bflag:$0x3] =	sbarrier.arrive $0xFFFF;
	s2 =	simm.s32 @!p0 $0x1C05  }
0x1ff: {  	[timem:s3], [sflag:s2] =	dma.local @!p0 [hbm:s0], s1  }
0x200: {  	s0 =	simm.s32 @!p0 $0x5  }
0x201: {  	_ =	swait.ge @!p0 [sflag:s0], s1  }
0x202: {  	s1 =	ssub.s32 @!p0 $0x0, s1;
	[sflag:s0] =	ssyncset.done @!p0 $0x0  }
0x203: {  	[sflag:s0] =	ssyncadd.s32 @!p0 s1  }
0x204: {  	[bflag:$0x3] =	sbarrier.arrive $0xFFFF  }
0x205: {  	_ =	shalt  }

</sc_bundles>
